<compile_context>
chip_gen: v7x
topology: tpu7x:2x2x1
jax: 0.10.2.dev20260603
libtpu: 0.0.44.dev20260713+nightly
codegen_flags: <defaults>
</compile_context>

<pallas_src>
import jax
import jax.numpy as jnp
from jax import lax
from jax.experimental import pallas as pl
from jax.experimental.pallas import tpu as pltpu
from jax.experimental.pallas import tpu_sc as plsc

N = 10000
E = 160000
D = 256
H = 128
NC = 2
NS = 16
L = 16
K = 128
CH = 79
EPT = CH * K
RPT = N // NS
WR = 125
WCH = RPT // WR


def _mm_body(x_ref, w_ref, o_ref):
    o_ref[...] = jnp.dot(x_ref[...], w_ref[...],
                         preferred_element_type=jnp.float32)


def _matmul(x, weight):
    bn = 1000
    return pl.pallas_call(
        _mm_body,
        grid=(N // bn,),
        in_specs=[
            pl.BlockSpec((bn, D), lambda i: (i, 0)),
            pl.BlockSpec((D, D), lambda i: (0, 0)),
        ],
        out_specs=pl.BlockSpec((bn, D), lambda i: (i, 0)),
        out_shape=jax.ShapeDtypeStruct((N, D), jnp.float32),
    )(x, weight)


def _sc_body(xw2_hbm, src_hbm, dst_hbm, ew_hbm, widx_hbm, out_hbm,
             src_v, dst_v, ewv, widx_v, buf, acc, esem):
    c = lax.axis_index("c")
    s = lax.axis_index("s")
    base = s * RPT
    wbuf = buf.at[pl.ds(0, WR)]

    pltpu.async_copy(src_hbm.at[c, s], src_v, esem)
    pltpu.async_copy(dst_hbm.at[s], dst_v, esem)
    pltpu.async_copy(widx_hbm.at[c, s], widx_v, esem)
    pltpu.make_async_copy(src_hbm.at[c, s], src_v, esem).wait()
    pltpu.make_async_copy(dst_hbm.at[s], dst_v, esem).wait()
    pltpu.make_async_copy(widx_hbm.at[c, s], widx_v, esem).wait()

    zeros = jnp.zeros((L,), jnp.float32)

    def zrow(r, _):
        for v in range(H // L):
            buf[r, pl.ds(v * L, L)] = zeros
        return 0

    lax.fori_loop(0, WR, zrow, 0)

    def zfire(k, _):
        pltpu.async_copy(wbuf, acc.at[pl.ds(base + k * WR, WR)], esem)
        return 0

    lax.fori_loop(0, WCH, zfire, 0)

    def zdrain(k, _):
        pltpu.make_async_copy(wbuf, acc.at[pl.ds(base, WR)], esem).wait()
        return 0

    lax.fori_loop(0, WCH, zdrain, 0)
    plsc.subcore_barrier()

    def scale(p):
        def edge_body(e, _):
            w = ewv[pl.ds(e * L, L)]
            for v in range(H // L):
                sl = pl.ds(v * L, L)
                buf[e, sl] = buf[e, sl] * w
            return 0

        lax.fori_loop(0, K, edge_body, 0)

    def chunk_body(j, _):
        pltpu.async_copy(ew_hbm.at[s, j], ewv, esem)
        pltpu.sync_copy(xw2_hbm.at[src_v.at[j]], buf)
        pltpu.make_async_copy(ew_hbm.at[s, 0], ewv, esem).wait()
        scale(0)
        pltpu.sync_copy(buf, acc.at[dst_v.at[j]], add=True)
        return 0

    lax.fori_loop(0, CH, chunk_body, 0)
    plsc.subcore_barrier()

    def wo_body(k, _):
        pltpu.sync_copy(acc.at[pl.ds(base + k * WR, WR)], wbuf)

        def relu_row(r, _):
            for v in range(H // L):
                sl = pl.ds(v * L, L)
                buf[r, sl] = jnp.maximum(buf[r, sl], 0.0)
            return 0

        lax.fori_loop(0, WR, relu_row, 0)
        pltpu.sync_copy(wbuf, out_hbm.at[widx_v.at[k]])
        return 0

    lax.fori_loop(0, WCH, wo_body, 0)


def _sc_scatter(xw2, src2, dst3, ew3, widx):
    mesh = plsc.VectorSubcoreMesh(core_axis_name="c", subcore_axis_name="s",
                                  num_cores=NC, num_subcores=NS)
    return pl.kernel(
        _sc_body,
        out_type=jax.ShapeDtypeStruct((2 * N, H), jnp.float32),
        mesh=mesh,
        scratch_types=[
            pltpu.VMEM((CH, K), jnp.int32),
            pltpu.VMEM((CH, K), jnp.int32),
            pltpu.VMEM((K * L,), jnp.float32),
            pltpu.VMEM((WCH, WR), jnp.int32),
            pltpu.VMEM((K, H), jnp.float32),
            pltpu.VMEM_SHARED((N, H), jnp.float32),
            pltpu.SemaphoreType.DMA,
        ],
    )(xw2, src2, dst3, ew3, widx)


def kernel(x, edge_index, edge_weight, weight):
    xw = _matmul(x, weight)
    xw2 = xw.reshape(2 * N, H)

    pad = NS * EPT - E
    srcp = jnp.pad(edge_index[0], (0, pad))
    dstp = jnp.pad(edge_index[1], (0, pad))
    ewp = jnp.pad(edge_weight, (0, pad))

    core = jnp.arange(NC, dtype=jnp.int32)
    src2 = (2 * srcp[None, :] + core[:, None]).reshape(NC, NS, CH, K)
    dst3 = dstp.reshape(NS, CH, K)
    ew3 = jnp.broadcast_to(ewp[:, None],
                           (NS * EPT, L)).reshape(NS, CH, K * L)

    rows = jnp.arange(N, dtype=jnp.int32).reshape(NS, WCH, WR)
    widx = 2 * rows[None] + core[:, None, None, None]

    out_flat = _sc_scatter(xw2, src2, dst3, ew3, widx)
    return out_flat.reshape(N, D)

# --- scband reference (transcript-rebuilt; emitter-appended) ---
"""Pipeline reference for scband-graph-conv-84447646974653 (READ-ONLY COPY).

The authoritative reference and input builder live on the scoring server;
editing this copy changes nothing except your own understanding.
"""

import jax, jax.numpy as jnp
import numpy as np

N = 10000
E = 160000
D_IN = 256
D_OUT = 256


def setup_inputs(seed: int = 0) -> dict:
    key = jax.random.key(seed)
    k1, k2, k3, k4 = jax.random.split(key, 4)
    x = jax.random.normal(k1, (N, D_IN), dtype=jnp.float32)
    edge_index = jax.random.randint(k2, (2, E), 0, N, dtype=jnp.int32)
    edge_weight = jax.random.uniform(k3, (E,), dtype=jnp.float32)
    weight = jax.random.normal(k4, (D_IN, D_OUT), dtype=jnp.float32)
    return {"x": x, "edge_index": edge_index, "edge_weight": edge_weight, "weight": weight}


def reference(x, edge_index, edge_weight, weight):
    # GraphConv forward (eval mode, dense features, no bias, featureless=False):
    #   xw  = x @ W                       (dense mm)
    #   out = sparse.mm(support, xw)      (support = sparse COO adjacency given by
    #                                      edge_index / edge_weight)
    #   return relu(out)
    xw = jnp.matmul(x, weight)
    src = edge_index[0]
    dst = edge_index[1]
    # sparse @ dense == gather rows of xw by src, scale by edge value, scatter-add to dst
    msg = jnp.take(xw, src, axis=0) * edge_weight[:, None]
    out = jax.ops.segment_sum(msg, dst, num_segments=N)
    out = jax.nn.relu(out)
    # original module returns (activation(out), support); support is passed through
    # unchanged so we return only the activated node features
    return out

if __name__ == "__main__":
    import jax
    _d = setup_inputs()
    print(jax.jit(kernel)(*tuple(_d.values())))

</pallas_src>

<mosaic_0001>
#map = affine_map<(d0, d1) -> (0, 0)>
#map1 = affine_map<(d0, d1) -> (0, 0, 0, 0)>
#map2 = affine_map<(d0, d1) -> (0, 0, 0)>
module attributes {stable_mosaic.version = 14 : i64} {
  func.func @_sc_body(%arg0: i32, %arg1: i32, %arg2: memref<20000x128xf32, #tpu.memory_space<hbm>>, %arg3: memref<2x16x79x128xi32, #tpu.memory_space<hbm>>, %arg4: memref<16x79x128xi32, #tpu.memory_space<hbm>>, %arg5: memref<16x79x2048xf32, #tpu.memory_space<hbm>>, %arg6: memref<2x16x5x125xi32, #tpu.memory_space<hbm>>, %arg7: memref<20000x128xf32, #tpu.memory_space<hbm>>, %arg8: memref<79x128xi32, #tpu.memory_space<vmem>>, %arg9: memref<79x128xi32, #tpu.memory_space<vmem>>, %arg10: memref<2048xf32, #tpu.memory_space<vmem>>, %arg11: memref<5x125xi32, #tpu.memory_space<vmem>>, %arg12: memref<128x128xf32, #tpu.memory_space<vmem>>, %arg13: memref<10000x128xf32, #tpu.memory_space<vmem_shared>>, %arg14: memref<!tpu.dma_semaphore, #tpu.memory_space<semaphore_mem>>) attributes {dimension_semantics = [#tpu.dimension_semantics<core_parallel>, #tpu.dimension_semantics<subcore_parallel>], iteration_bounds = array<i64: 2, 16>, scalar_prefetch = 0 : i64, scratch_operands = 7 : i64, tpu.core_type = #tpu.core_type<sc_vector_subcore>, window_params = [{transform_indices = #map}, {transform_indices = #map1}, {transform_indices = #map2}, {transform_indices = #map2}, {transform_indices = #map1}, {transform_indices = #map}]} {
    %mul3A = arith.constant 625 : i32
    %mul3A_0 = arith.muli %arg1, %mul3A : i32
    %dma_start3A = arith.constant 0 : i32
    %dma_start3A_1 = arith.constant 0 : i32
    %dma_start3A_2 = tpu.memref_slice %arg3[%arg0, %arg1, %dma_start3A, %dma_start3A_1] : memref<2x16x79x128xi32, #tpu.memory_space<hbm>> -> memref<1x1x79x128xi32, #tpu.memory_space<hbm>>
    %dma_start3A_3 = tpu.memref_squeeze %dma_start3A_2 : memref<1x1x79x128xi32, #tpu.memory_space<hbm>> -> memref<79x128xi32, #tpu.memory_space<hbm>>
    %dma_start3A_4 = arith.constant 0 : i32
    %dma_start3A_5 = arith.constant 0 : i32
    %dma_start3A_6 = tpu.memref_slice %arg3[%arg0, %arg1, %dma_start3A_4, %dma_start3A_5] : memref<2x16x79x128xi32, #tpu.memory_space<hbm>> -> memref<1x1x79x128xi32, #tpu.memory_space<hbm>>
    %dma_start3A_7 = tpu.memref_squeeze %dma_start3A_6 : memref<1x1x79x128xi32, #tpu.memory_space<hbm>> -> memref<79x128xi32, #tpu.memory_space<hbm>>
    tpu.enqueue_dma source(%dma_start3A_7 : memref<79x128xi32, #tpu.memory_space<hbm>>) target(%arg8 : memref<79x128xi32, #tpu.memory_space<vmem>>) target_semaphore(%arg14 : memref<!tpu.dma_semaphore, #tpu.memory_space<semaphore_mem>>)
    %dma_start3A_8 = arith.constant 0 : i32
    %dma_start3A_9 = arith.constant 0 : i32
    %dma_start3A_10 = tpu.memref_slice %arg4[%arg1, %dma_start3A_8, %dma_start3A_9] : memref<16x79x128xi32, #tpu.memory_space<hbm>> -> memref<1x79x128xi32, #tpu.memory_space<hbm>>
    %dma_start3A_11 = tpu.memref_squeeze %dma_start3A_10 : memref<1x79x128xi32, #tpu.memory_space<hbm>> -> memref<79x128xi32, #tpu.memory_space<hbm>>
    %dma_start3A_12 = arith.constant 0 : i32
    %dma_start3A_13 = arith.constant 0 : i32
    %dma_start3A_14 = tpu.memref_slice %arg4[%arg1, %dma_start3A_12, %dma_start3A_13] : memref<16x79x128xi32, #tpu.memory_space<hbm>> -> memref<1x79x128xi32, #tpu.memory_space<hbm>>
    %dma_start3A_15 = tpu.memref_squeeze %dma_start3A_14 : memref<1x79x128xi32, #tpu.memory_space<hbm>> -> memref<79x128xi32, #tpu.memory_space<hbm>>
    tpu.enqueue_dma source(%dma_start3A_15 : memref<79x128xi32, #tpu.memory_space<hbm>>) target(%arg9 : memref<79x128xi32, #tpu.memory_space<vmem>>) target_semaphore(%arg14 : memref<!tpu.dma_semaphore, #tpu.memory_space<semaphore_mem>>)
    %dma_start3A_16 = arith.constant 0 : i32
    %dma_start3A_17 = arith.constant 0 : i32
    %dma_start3A_18 = tpu.memref_slice %arg6[%arg0, %arg1, %dma_start3A_16, %dma_start3A_17] : memref<2x16x5x125xi32, #tpu.memory_space<hbm>> -> memref<1x1x5x125xi32, #tpu.memory_space<hbm>>
    %dma_start3A_19 = tpu.memref_squeeze %dma_start3A_18 : memref<1x1x5x125xi32, #tpu.memory_space<hbm>> -> memref<5x125xi32, #tpu.memory_space<hbm>>
    %dma_start3A_20 = arith.constant 0 : i32
    %dma_start3A_21 = arith.constant 0 : i32
    %dma_start3A_22 = tpu.memref_slice %arg6[%arg0, %arg1, %dma_start3A_20, %dma_start3A_21] : memref<2x16x5x125xi32, #tpu.memory_space<hbm>> -> memref<1x1x5x125xi32, #tpu.memory_space<hbm>>
    %dma_start3A_23 = tpu.memref_squeeze %dma_start3A_22 : memref<1x1x5x125xi32, #tpu.memory_space<hbm>> -> memref<5x125xi32, #tpu.memory_space<hbm>>
    tpu.enqueue_dma source(%dma_start3A_23 : memref<5x125xi32, #tpu.memory_space<hbm>>) target(%arg11 : memref<5x125xi32, #tpu.memory_space<vmem>>) target_semaphore(%arg14 : memref<!tpu.dma_semaphore, #tpu.memory_space<semaphore_mem>>)
    %dma_wait3A = arith.constant 0 : i32
    %dma_wait3A_24 = arith.constant 0 : i32
    %dma_wait3A_25 = tpu.memref_slice %arg3[%arg0, %arg1, %dma_wait3A, %dma_wait3A_24] : memref<2x16x79x128xi32, #tpu.memory_space<hbm>> -> memref<1x1x79x128xi32, #tpu.memory_space<hbm>>
    %dma_wait3A_26 = tpu.memref_squeeze %dma_wait3A_25 : memref<1x1x79x128xi32, #tpu.memory_space<hbm>> -> memref<79x128xi32, #tpu.memory_space<hbm>>
    %dma_wait3A_27 = arith.constant 0 : i32
    %dma_wait3A_28 = arith.constant 0 : i32
    %dma_wait3A_29 = tpu.memref_slice %arg3[%arg0, %arg1, %dma_wait3A_27, %dma_wait3A_28] : memref<2x16x79x128xi32, #tpu.memory_space<hbm>> -> memref<1x1x79x128xi32, #tpu.memory_space<hbm>>
    %dma_wait3A_30 = tpu.memref_squeeze %dma_wait3A_29 : memref<1x1x79x128xi32, #tpu.memory_space<hbm>> -> memref<79x128xi32, #tpu.memory_space<hbm>>
    tpu.wait_dma2 semaphore(%arg14 : memref<!tpu.dma_semaphore, #tpu.memory_space<semaphore_mem>>) src(%dma_wait3A_30 : memref<79x128xi32, #tpu.memory_space<hbm>>) dst(%arg8 : memref<79x128xi32, #tpu.memory_space<vmem>>)
    %dma_wait3A_31 = arith.constant 0 : i32
    %dma_wait3A_32 = arith.constant 0 : i32
    %dma_wait3A_33 = tpu.memref_slice %arg4[%arg1, %dma_wait3A_31, %dma_wait3A_32] : memref<16x79x128xi32, #tpu.memory_space<hbm>> -> memref<1x79x128xi32, #tpu.memory_space<hbm>>
    %dma_wait3A_34 = tpu.memref_squeeze %dma_wait3A_33 : memref<1x79x128xi32, #tpu.memory_space<hbm>> -> memref<79x128xi32, #tpu.memory_space<hbm>>
    %dma_wait3A_35 = arith.constant 0 : i32
    %dma_wait3A_36 = arith.constant 0 : i32
    %dma_wait3A_37 = tpu.memref_slice %arg4[%arg1, %dma_wait3A_35, %dma_wait3A_36] : memref<16x79x128xi32, #tpu.memory_space<hbm>> -> memref<1x79x128xi32, #tpu.memory_space<hbm>>
    %dma_wait3A_38 = tpu.memref_squeeze %dma_wait3A_37 : memref<1x79x128xi32, #tpu.memory_space<hbm>> -> memref<79x128xi32, #tpu.memory_space<hbm>>
    tpu.wait_dma2 semaphore(%arg14 : memref<!tpu.dma_semaphore, #tpu.memory_space<semaphore_mem>>) src(%dma_wait3A_38 : memref<79x128xi32, #tpu.memory_space<hbm>>) dst(%arg9 : memref<79x128xi32, #tpu.memory_space<vmem>>)
    %dma_wait3A_39 = arith.constant 0 : i32
    %dma_wait3A_40 = arith.constant 0 : i32
    %dma_wait3A_41 = tpu.memref_slice %arg6[%arg0, %arg1, %dma_wait3A_39, %dma_wait3A_40] : memref<2x16x5x125xi32, #tpu.memory_space<hbm>> -> memref<1x1x5x125xi32, #tpu.memory_space<hbm>>
    %dma_wait3A_42 = tpu.memref_squeeze %dma_wait3A_41 : memref<1x1x5x125xi32, #tpu.memory_space<hbm>> -> memref<5x125xi32, #tpu.memory_space<hbm>>
    %dma_wait3A_43 = arith.constant 0 : i32
    %dma_wait3A_44 = arith.constant 0 : i32
    %dma_wait3A_45 = tpu.memref_slice %arg6[%arg0, %arg1, %dma_wait3A_43, %dma_wait3A_44] : memref<2x16x5x125xi32, #tpu.memory_space<hbm>> -> memref<1x1x5x125xi32, #tpu.memory_space<hbm>>
    %dma_wait3A_46 = tpu.memref_squeeze %dma_wait3A_45 : memref<1x1x5x125xi32, #tpu.memory_space<hbm>> -> memref<5x125xi32, #tpu.memory_space<hbm>>
    tpu.wait_dma2 semaphore(%arg14 : memref<!tpu.dma_semaphore, #tpu.memory_space<semaphore_mem>>) src(%dma_wait3A_46 : memref<5x125xi32, #tpu.memory_space<hbm>>) dst(%arg11 : memref<5x125xi32, #tpu.memory_space<vmem>>)
    %broadcast_in_dim3A = arith.constant 0.000000e+00 : f32
    %broadcast_in_dim3A_47 = vector.broadcast %broadcast_in_dim3A : f32 to vector<16xf32>
    %scan3A = arith.constant 0 : i32
    %scan3A_48 = arith.constant 0 : i32
    %scan3A_49 = arith.constant 125 : i32
    %scan3A_50 = arith.addi %scan3A_48, %scan3A_49 : i32
    %scan3A_51 = arith.constant 1 : i32
    %scan3A_52 = scf.for %scan3A_83 = %scan3A_48 to %scan3A_50 step %scan3A_51 iter_args(%scan3A_84 = %scan3A) -> (i32)  : i32 {
      %swap3A = arith.index_cast %scan3A_83 : i32 to index
      %swap3A_85 = arith.constant 0 : index
      %swap3A_86 = tpu.vector_load %arg12[%swap3A, %swap3A_85] {strides = array<i32>} : memref<128x128xf32, #tpu.memory_space<vmem>>, vector<1x16xf32>,
      %swap3A_87 = vector.shape_cast %swap3A_86 : vector<1x16xf32> to vector<16xf32>
      %swap3A_88 = vector.shape_cast %broadcast_in_dim3A_47 : vector<16xf32> to vector<1x16xf32>
      tpu.vector_store %arg12[%swap3A, %swap3A_85], %swap3A_88 {strides = array<i32>} : memref<128x128xf32, #tpu.memory_space<vmem>>, vector<1x16xf32>,
      %swap3A_89 = arith.index_cast %scan3A_83 : i32 to index
      %swap3A_90 = arith.constant 16 : index
      %swap3A_91 = tpu.vector_load %arg12[%swap3A_89, %swap3A_90] {strides = array<i32>} : memref<128x128xf32, #tpu.memory_space<vmem>>, vector<1x16xf32>,
      %swap3A_92 = vector.shape_cast %swap3A_91 : vector<1x16xf32> to vector<16xf32>
      %swap3A_93 = vector.shape_cast %broadcast_in_dim3A_47 : vector<16xf32> to vector<1x16xf32>
      tpu.vector_store %arg12[%swap3A_89, %swap3A_90], %swap3A_93 {strides = array<i32>} : memref<128x128xf32, #tpu.memory_space<vmem>>, vector<1x16xf32>,
      %swap3A_94 = arith.index_cast %scan3A_83 : i32 to index
      %swap3A_95 = arith.constant 32 : index
      %swap3A_96 = tpu.vector_load %arg12[%swap3A_94, %swap3A_95] {strides = array<i32>} : memref<128x128xf32, #tpu.memory_space<vmem>>, vector<1x16xf32>,
      %swap3A_97 = vector.shape_cast %swap3A_96 : vector<1x16xf32> to vector<16xf32>
      %swap3A_98 = vector.shape_cast %broadcast_in_dim3A_47 : vector<16xf32> to vector<1x16xf32>
      tpu.vector_store %arg12[%swap3A_94, %swap3A_95], %swap3A_98 {strides = array<i32>} : memref<128x128xf32, #tpu.memory_space<vmem>>, vector<1x16xf32>,
      %swap3A_99 = arith.index_cast %scan3A_83 : i32 to index
      %swap3A_100 = arith.constant 48 : index
      %swap3A_101 = tpu.vector_load %arg12[%swap3A_99, %swap3A_100] {strides = array<i32>} : memref<128x128xf32, #tpu.memory_space<vmem>>, vector<1x16xf32>,
      %swap3A_102 = vector.shape_cast %swap3A_101 : vector<1x16xf32> to vector<16xf32>
      %swap3A_103 = vector.shape_cast %broadcast_in_dim3A_47 : vector<16xf32> to vector<1x16xf32>
      tpu.vector_store %arg12[%swap3A_99, %swap3A_100], %swap3A_103 {strides = array<i32>} : memref<128x128xf32, #tpu.memory_space<vmem>>, vector<1x16xf32>,
      %swap3A_104 = arith.index_cast %scan3A_83 : i32 to index
      %swap3A_105 = arith.constant 64 : index
      %swap3A_106 = tpu.vector_load %arg12[%swap3A_104, %swap3A_105] {strides = array<i32>} : memref<128x128xf32, #tpu.memory_space<vmem>>, vector<1x16xf32>,
      %swap3A_107 = vector.shape_cast %swap3A_106 : vector<1x16xf32> to vector<16xf32>
      %swap3A_108 = vector.shape_cast %broadcast_in_dim3A_47 : vector<16xf32> to vector<1x16xf32>
      tpu.vector_store %arg12[%swap3A_104, %swap3A_105], %swap3A_108 {strides = array<i32>} : memref<128x128xf32, #tpu.memory_space<vmem>>, vector<1x16xf32>,
      %swap3A_109 = arith.index_cast %scan3A_83 : i32 to index
      %swap3A_110 = arith.constant 80 : index
      %swap3A_111 = tpu.vector_load %arg12[%swap3A_109, %swap3A_110] {strides = array<i32>} : memref<128x128xf32, #tpu.memory_space<vmem>>, vector<1x16xf32>,
      %swap3A_112 = vector.shape_cast %swap3A_111 : vector<1x16xf32> to vector<16xf32>
      %swap3A_113 = vector.shape_cast %broadcast_in_dim3A_47 : vector<16xf32> to vector<1x16xf32>
      tpu.vector_store %arg12[%swap3A_109, %swap3A_110], %swap3A_113 {strides = array<i32>} : memref<128x128xf32, #tpu.memory_space<vmem>>, vector<1x16xf32>,
      %swap3A_114 = arith.index_cast %scan3A_83 : i32 to index
      %swap3A_115 = arith.constant 96 : index
      %swap3A_116 = tpu.vector_load %arg12[%swap3A_114, %swap3A_115] {strides = array<i32>} : memref<128x128xf32, #tpu.memory_space<vmem>>, vector<1x16xf32>,
      %swap3A_117 = vector.shape_cast %swap3A_116 : vector<1x16xf32> to vector<16xf32>
      %swap3A_118 = vector.shape_cast %broadcast_in_dim3A_47 : vector<16xf32> to vector<1x16xf32>
      tpu.vector_store %arg12[%swap3A_114, %swap3A_115], %swap3A_118 {strides = array<i32>} : memref<128x128xf32, #tpu.memory_space<vmem>>, vector<1x16xf32>,
      %swap3A_119 = arith.index_cast %scan3A_83 : i32 to index
      %swap3A_120 = arith.constant 112 : index
      %swap3A_121 = tpu.vector_load %arg12[%swap3A_119, %swap3A_120] {strides = array<i32>} : memref<128x128xf32, #tpu.memory_space<vmem>>, vector<1x16xf32>,
      %swap3A_122 = vector.shape_cast %swap3A_121 : vector<1x16xf32> to vector<16xf32>
      %swap3A_123 = vector.shape_cast %broadcast_in_dim3A_47 : vector<16xf32> to vector<1x16xf32>
      tpu.vector_store %arg12[%swap3A_119, %swap3A_120], %swap3A_123 {strides = array<i32>} : memref<128x128xf32, #tpu.memory_space<vmem>>, vector<1x16xf32>,
      %scan3A_124 = arith.constant 0 : i32
      scf.yield %scan3A_124 : i32
    }
    %scan3A_53 = arith.constant 125 : i32
    %scan3A_54 = arith.constant 0 : i32
    %scan3A_55 = arith.constant 0 : i32
    %scan3A_56 = arith.constant 5 : i32
    %scan3A_57 = arith.addi %scan3A_55, %scan3A_56 : i32
    %scan3A_58 = arith.constant 1 : i32
    %scan3A_59 = scf.for %scan3A_83 = %scan3A_55 to %scan3A_57 step %scan3A_58 iter_args(%scan3A_84 = %scan3A_54) -> (i32)  : i32 {
      %mul3A_85 = arith.constant 125 : i32
      %mul3A_86 = arith.muli %scan3A_83, %mul3A_85 : i32
      %add3A = arith.addi %mul3A_0, %mul3A_86 : i32
      %dma_start3A_87 = arith.constant 0 : i32
      %dma_start3A_88 = arith.constant 0 : i32
      %dma_start3A_89 = tpu.memref_slice %arg12[%dma_start3A_87, %dma_start3A_88] : memref<128x128xf32, #tpu.memory_space<vmem>> -> memref<125x128xf32, #tpu.memory_space<vmem>>
      %dma_start3A_90 = arith.constant 0 : i32
      %dma_start3A_91 = tpu.memref_slice %arg13[%add3A, %dma_start3A_90] : memref<10000x128xf32, #tpu.memory_space<vmem_shared>> -> memref<125x128xf32, #tpu.memory_space<vmem_shared>>
      %dma_start3A_92 = arith.constant 0 : i32
      %dma_start3A_93 = tpu.memref_slice %arg13[%add3A, %dma_start3A_92] : memref<10000x128xf32, #tpu.memory_space<vmem_shared>> -> memref<125x128xf32, #tpu.memory_space<vmem_shared>>
      %dma_start3A_94 = arith.constant 0 : i32
      %dma_start3A_95 = arith.constant 0 : i32
      %dma_start3A_96 = tpu.memref_slice %arg12[%dma_start3A_94, %dma_start3A_95] : memref<128x128xf32, #tpu.memory_space<vmem>> -> memref<125x128xf32, #tpu.memory_space<vmem>>
      tpu.enqueue_dma source(%dma_start3A_96 : memref<125x128xf32, #tpu.memory_space<vmem>>) target(%dma_start3A_93 : memref<125x128xf32, #tpu.memory_space<vmem_shared>>) target_semaphore(%arg14 : memref<!tpu.dma_semaphore, #tpu.memory_space<semaphore_mem>>)
      %scan3A_97 = arith.constant 0 : i32
      scf.yield %scan3A_97 : i32
    }
    %scan3A_60 = arith.constant 5 : i32
    %scan3A_61 = arith.constant 0 : i32
    %scan3A_62 = arith.constant 0 : i32
    %scan3A_63 = arith.constant 5 : i32
    %scan3A_64 = arith.addi %scan3A_62, %scan3A_63 : i32
    %scan3A_65 = arith.constant 1 : i32
    %scan3A_66 = scf.for %scan3A_83 = %scan3A_62 to %scan3A_64 step %scan3A_65 iter_args(%scan3A_84 = %scan3A_61) -> (i32)  : i32 {
      %dma_wait3A_85 = arith.constant 0 : i32
      %dma_wait3A_86 = arith.constant 0 : i32
      %dma_wait3A_87 = tpu.memref_slice %arg12[%dma_wait3A_85, %dma_wait3A_86] : memref<128x128xf32, #tpu.memory_space<vmem>> -> memref<125x128xf32, #tpu.memory_space<vmem>>
      %dma_wait3A_88 = arith.constant 0 : i32
      %dma_wait3A_89 = tpu.memref_slice %arg13[%mul3A_0, %dma_wait3A_88] : memref<10000x128xf32, #tpu.memory_space<vmem_shared>> -> memref<125x128xf32, #tpu.memory_space<vmem_shared>>
      %dma_wait3A_90 = arith.constant 0 : i32
      %dma_wait3A_91 = tpu.memref_slice %arg13[%mul3A_0, %dma_wait3A_90] : memref<10000x128xf32, #tpu.memory_space<vmem_shared>> -> memref<125x128xf32, #tpu.memory_space<vmem_shared>>
      %dma_wait3A_92 = arith.constant 0 : i32
      %dma_wait3A_93 = arith.constant 0 : i32
      %dma_wait3A_94 = tpu.memref_slice %arg12[%dma_wait3A_92, %dma_wait3A_93] : memref<128x128xf32, #tpu.memory_space<vmem>> -> memref<125x128xf32, #tpu.memory_space<vmem>>
      tpu.wait_dma2 semaphore(%arg14 : memref<!tpu.dma_semaphore, #tpu.memory_space<semaphore_mem>>) src(%dma_wait3A_94 : memref<125x128xf32, #tpu.memory_space<vmem>>) dst(%dma_wait3A_91 : memref<125x128xf32, #tpu.memory_space<vmem_shared>>)
      %scan3A_95 = arith.constant 0 : i32
      scf.yield %scan3A_95 : i32
    }
    %scan3A_67 = arith.constant 5 : i32
    %barrier3A = arith.constant 0 : index
    tpu.barrier barrier_id(%barrier3A)
    %scan3A_68 = arith.constant 0 : i32
    %scan3A_69 = arith.constant 0 : i32
    %scan3A_70 = arith.constant 79 : i32
    %scan3A_71 = arith.addi %scan3A_69, %scan3A_70 : i32
    %scan3A_72 = arith.constant 1 : i32
    %scan3A_73 = scf.for %scan3A_83 = %scan3A_69 to %scan3A_71 step %scan3A_72 iter_args(%scan3A_84 = %scan3A_68) -> (i32)  : i32 {
      %dma_start3A_85 = arith.constant 0 : i32
      %dma_start3A_86 = tpu.memref_slice %arg5[%arg1, %scan3A_83, %dma_start3A_85] : memref<16x79x2048xf32, #tpu.memory_space<hbm>> -> memref<1x1x2048xf32, #tpu.memory_space<hbm>>
      %dma_start3A_87 = tpu.memref_squeeze %dma_start3A_86 : memref<1x1x2048xf32, #tpu.memory_space<hbm>> -> memref<2048xf32, #tpu.memory_space<hbm>>
      %dma_start3A_88 = arith.constant 0 : i32
      %dma_start3A_89 = tpu.memref_slice %arg5[%arg1, %scan3A_83, %dma_start3A_88] : memref<16x79x2048xf32, #tpu.memory_space<hbm>> -> memref<1x1x2048xf32, #tpu.memory_space<hbm>>
      %dma_start3A_90 = tpu.memref_squeeze %dma_start3A_89 : memref<1x1x2048xf32, #tpu.memory_space<hbm>> -> memref<2048xf32, #tpu.memory_space<hbm>>
      tpu.enqueue_dma source(%dma_start3A_90 : memref<2048xf32, #tpu.memory_space<hbm>>) target(%arg10 : memref<2048xf32, #tpu.memory_space<vmem>>) target_semaphore(%arg14 : memref<!tpu.dma_semaphore, #tpu.memory_space<semaphore_mem>>)
      "tpu.region"() ({
        %run_scoped3A = tpu.sem_alloc : memref<!tpu.dma_semaphore, #tpu.memory_space<semaphore_mem>>
        %dma_start3A_106 = arith.constant 0 : i32
        %dma_start3A_107 = tpu.memref_slice %arg8[%scan3A_83, %dma_start3A_106] : memref<79x128xi32, #tpu.memory_space<vmem>> -> memref<1x128xi32, #tpu.memory_space<vmem>>
        %dma_start3A_108 = tpu.memref_squeeze %dma_start3A_107 : memref<1x128xi32, #tpu.memory_space<vmem>> -> memref<128xi32, #tpu.memory_space<vmem>>
        %dma_start3A_109 = arith.constant 0 : i32
        %dma_start3A_110 = arith.constant 0 : i32
        %dma_start3A_111 = tpu.memref_slice %arg2[%dma_start3A_109, %dma_start3A_110] : memref<20000x128xf32, #tpu.memory_space<hbm>> -> memref<20000x128xf32, #tpu.memory_space<hbm>>
        tpu.enqueue_indirect_dma source(%dma_start3A_111 : memref<20000x128xf32, #tpu.memory_space<hbm>>) target(%arg12 : memref<128x128xf32, #tpu.memory_space<vmem>>) offsets(%dma_start3A_108 : memref<128xi32, #tpu.memory_space<vmem>>) semaphore(%run_scoped3A : memref<!tpu.dma_semaphore, #tpu.memory_space<semaphore_mem>>)
        %dma_wait3A_112 = arith.constant 0 : i32
        %dma_wait3A_113 = tpu.memref_slice %arg8[%scan3A_83, %dma_wait3A_112] : memref<79x128xi32, #tpu.memory_space<vmem>> -> memref<1x128xi32, #tpu.memory_space<vmem>>
        %dma_wait3A_114 = tpu.memref_squeeze %dma_wait3A_113 : memref<1x128xi32, #tpu.memory_space<vmem>> -> memref<128xi32, #tpu.memory_space<vmem>>
        %dma_wait3A_115 = arith.constant 0 : i32
        %dma_wait3A_116 = arith.constant 0 : i32
        %dma_wait3A_117 = tpu.memref_slice %arg2[%dma_wait3A_115, %dma_wait3A_116] : memref<20000x128xf32, #tpu.memory_space<hbm>> -> memref<20000x128xf32, #tpu.memory_space<hbm>>
        tpu.wait_indirect_dma semaphore(%run_scoped3A : memref<!tpu.dma_semaphore, #tpu.memory_space<semaphore_mem>>) src(%dma_wait3A_117 : memref<20000x128xf32, #tpu.memory_space<hbm>>) dst(%arg12 : memref<128x128xf32, #tpu.memory_space<vmem>>)
        tpu.yield
      }) : () -> ()
      %dma_wait3A_91 = arith.constant 0 : i32
      %dma_wait3A_92 = arith.constant 0 : i32
      %dma_wait3A_93 = tpu.memref_slice %arg5[%arg1, %dma_wait3A_91, %dma_wait3A_92] : memref<16x79x2048xf32, #tpu.memory_space<hbm>> -> memref<1x1x2048xf32, #tpu.memory_space<hbm>>
      %dma_wait3A_94 = tpu.memref_squeeze %dma_wait3A_93 : memref<1x1x2048xf32, #tpu.memory_space<hbm>> -> memref<2048xf32, #tpu.memory_space<hbm>>
      %dma_wait3A_95 = arith.constant 0 : i32
      %dma_wait3A_96 = tpu.memref_slice %arg5[%arg1, %dma_wait3A_91, %dma_wait3A_95] : memref<16x79x2048xf32, #tpu.memory_space<hbm>> -> memref<1x1x2048xf32, #tpu.memory_space<hbm>>
      %dma_wait3A_97 = tpu.memref_squeeze %dma_wait3A_96 : memref<1x1x2048xf32, #tpu.memory_space<hbm>> -> memref<2048xf32, #tpu.memory_space<hbm>>
      tpu.wait_dma2 semaphore(%arg14 : memref<!tpu.dma_semaphore, #tpu.memory_space<semaphore_mem>>) src(%dma_wait3A_97 : memref<2048xf32, #tpu.memory_space<hbm>>) dst(%arg10 : memref<2048xf32, #tpu.memory_space<vmem>>)
      %scan3A_98 = arith.constant 0 : i32
      %scan3A_99 = arith.constant 0 : i32
      %scan3A_100 = arith.constant 128 : i32
      %scan3A_101 = arith.addi %scan3A_99, %scan3A_100 : i32
      %scan3A_102 = arith.constant 1 : i32
      %scan3A_103 = scf.for %scan3A_106 = %scan3A_99 to %scan3A_101 step %scan3A_102 iter_args(%scan3A_107 = %scan3A_98) -> (i32)  : i32 {
        %mul3A_108 = arith.constant 16 : i32
        %mul3A_109 = arith.muli %scan3A_106, %mul3A_108 : i32
        %get3A = arith.index_cast %mul3A_109 : i32 to index
        %get3A_110 = tpu.vector_load %arg10[%get3A] {strides = array<i32>} : memref<2048xf32, #tpu.memory_space<vmem>>, vector<16xf32>,
        %get3A_111 = vector.shape_cast %get3A_110 : vector<16xf32> to vector<16xf32>
        %get3A_112 = arith.index_cast %scan3A_106 : i32 to index
        %get3A_113 = arith.constant 0 : index
        %get3A_114 = tpu.vector_load %arg12[%get3A_112, %get3A_113] {strides = array<i32>} : memref<128x128xf32, #tpu.memory_space<vmem>>, vector<1x16xf32>,
        %get3A_115 = vector.shape_cast %get3A_114 : vector<1x16xf32> to vector<16xf32>
        %mul3A_116 = arith.mulf %get3A_115, %get3A_111 : vector<16xf32>
        %swap3A = arith.index_cast %scan3A_106 : i32 to index
        %swap3A_117 = arith.constant 0 : index
        %swap3A_118 = tpu.vector_load %arg12[%swap3A, %swap3A_117] {strides = array<i32>} : memref<128x128xf32, #tpu.memory_space<vmem>>, vector<1x16xf32>,
        %swap3A_119 = vector.shape_cast %swap3A_118 : vector<1x16xf32> to vector<16xf32>
        %swap3A_120 = vector.shape_cast %mul3A_116 : vector<16xf32> to vector<1x16xf32>
        tpu.vector_store %arg12[%swap3A, %swap3A_117], %swap3A_120 {strides = array<i32>} : memref<128x128xf32, #tpu.memory_space<vmem>>, vector<1x16xf32>,
        %get3A_121 = arith.index_cast %scan3A_106 : i32 to index
        %get3A_122 = arith.constant 16 : index
        %get3A_123 = tpu.vector_load %arg12[%get3A_121, %get3A_122] {strides = array<i32>} : memref<128x128xf32, #tpu.memory_space<vmem>>, vector<1x16xf32>,
        %get3A_124 = vector.shape_cast %get3A_123 : vector<1x16xf32> to vector<16xf32>
        %mul3A_125 = arith.mulf %get3A_124, %get3A_111 : vector<16xf32>
        %swap3A_126 = arith.index_cast %scan3A_106 : i32 to index
        %swap3A_127 = arith.constant 16 : index
        %swap3A_128 = tpu.vector_load %arg12[%swap3A_126, %swap3A_127] {strides = array<i32>} : memref<128x128xf32, #tpu.memory_space<vmem>>, vector<1x16xf32>,
        %swap3A_129 = vector.shape_cast %swap3A_128 : vector<1x16xf32> to vector<16xf32>
        %swap3A_130 = vector.shape_cast %mul3A_125 : vector<16xf32> to vector<1x16xf32>
        tpu.vector_store %arg12[%swap3A_126, %swap3A_127], %swap3A_130 {strides = array<i32>} : memref<128x128xf32, #tpu.memory_space<vmem>>, vector<1x16xf32>,
        %get3A_131 = arith.index_cast %scan3A_106 : i32 to index
        %get3A_132 = arith.constant 32 : index
        %get3A_133 = tpu.vector_load %arg12[%get3A_131, %get3A_132] {strides = array<i32>} : memref<128x128xf32, #tpu.memory_space<vmem>>, vector<1x16xf32>,
        %get3A_134 = vector.shape_cast %get3A_133 : vector<1x16xf32> to vector<16xf32>
        %mul3A_135 = arith.mulf %get3A_134, %get3A_111 : vector<16xf32>
        %swap3A_136 = arith.index_cast %scan3A_106 : i32 to index
        %swap3A_137 = arith.constant 32 : index
        %swap3A_138 = tpu.vector_load %arg12[%swap3A_136, %swap3A_137] {strides = array<i32>} : memref<128x128xf32, #tpu.memory_space<vmem>>, vector<1x16xf32>,
        %swap3A_139 = vector.shape_cast %swap3A_138 : vector<1x16xf32> to vector<16xf32>
        %swap3A_140 = vector.shape_cast %mul3A_135 : vector<16xf32> to vector<1x16xf32>
        tpu.vector_store %arg12[%swap3A_136, %swap3A_137], %swap3A_140 {strides = array<i32>} : memref<128x128xf32, #tpu.memory_space<vmem>>, vector<1x16xf32>,
        %get3A_141 = arith.index_cast %scan3A_106 : i32 to index
        %get3A_142 = arith.constant 48 : index
        %get3A_143 = tpu.vector_load %arg12[%get3A_141, %get3A_142] {strides = array<i32>} : memref<128x128xf32, #tpu.memory_space<vmem>>, vector<1x16xf32>,
        %get3A_144 = vector.shape_cast %get3A_143 : vector<1x16xf32> to vector<16xf32>
        %mul3A_145 = arith.mulf %get3A_144, %get3A_111 : vector<16xf32>
        %swap3A_146 = arith.index_cast %scan3A_106 : i32 to index
        %swap3A_147 = arith.constant 48 : index
        %swap3A_148 = tpu.vector_load %arg12[%swap3A_146, %swap3A_147] {strides = array<i32>} : memref<128x128xf32, #tpu.memory_space<vmem>>, vector<1x16xf32>,
        %swap3A_149 = vector.shape_cast %swap3A_148 : vector<1x16xf32> to vector<16xf32>
        %swap3A_150 = vector.shape_cast %mul3A_145 : vector<16xf32> to vector<1x16xf32>
        tpu.vector_store %arg12[%swap3A_146, %swap3A_147], %swap3A_150 {strides = array<i32>} : memref<128x128xf32, #tpu.memory_space<vmem>>, vector<1x16xf32>,
        %get3A_151 = arith.index_cast %scan3A_106 : i32 to index
        %get3A_152 = arith.constant 64 : index
        %get3A_153 = tpu.vector_load %arg12[%get3A_151, %get3A_152] {strides = array<i32>} : memref<128x128xf32, #tpu.memory_space<vmem>>, vector<1x16xf32>,
        %get3A_154 = vector.shape_cast %get3A_153 : vector<1x16xf32> to vector<16xf32>
        %mul3A_155 = arith.mulf %get3A_154, %get3A_111 : vector<16xf32>
        %swap3A_156 = arith.index_cast %scan3A_106 : i32 to index
        %swap3A_157 = arith.constant 64 : index
        %swap3A_158 = tpu.vector_load %arg12[%swap3A_156, %swap3A_157] {strides = array<i32>} : memref<128x128xf32, #tpu.memory_space<vmem>>, vector<1x16xf32>,
        %swap3A_159 = vector.shape_cast %swap3A_158 : vector<1x16xf32> to vector<16xf32>
        %swap3A_160 = vector.shape_cast %mul3A_155 : vector<16xf32> to vector<1x16xf32>
        tpu.vector_store %arg12[%swap3A_156, %swap3A_157], %swap3A_160 {strides = array<i32>} : memref<128x128xf32, #tpu.memory_space<vmem>>, vector<1x16xf32>,
        %get3A_161 = arith.index_cast %scan3A_106 : i32 to index
        %get3A_162 = arith.constant 80 : index
        %get3A_163 = tpu.vector_load %arg12[%get3A_161, %get3A_162] {strides = array<i32>} : memref<128x128xf32, #tpu.memory_space<vmem>>, vector<1x16xf32>,
        %get3A_164 = vector.shape_cast %get3A_163 : vector<1x16xf32> to vector<16xf32>
        %mul3A_165 = arith.mulf %get3A_164, %get3A_111 : vector<16xf32>
        %swap3A_166 = arith.index_cast %scan3A_106 : i32 to index
        %swap3A_167 = arith.constant 80 : index
        %swap3A_168 = tpu.vector_load %arg12[%swap3A_166, %swap3A_167] {strides = array<i32>} : memref<128x128xf32, #tpu.memory_space<vmem>>, vector<1x16xf32>,
        %swap3A_169 = vector.shape_cast %swap3A_168 : vector<1x16xf32> to vector<16xf32>
        %swap3A_170 = vector.shape_cast %mul3A_165 : vector<16xf32> to vector<1x16xf32>
        tpu.vector_store %arg12[%swap3A_166, %swap3A_167], %swap3A_170 {strides = array<i32>} : memref<128x128xf32, #tpu.memory_space<vmem>>, vector<1x16xf32>,
        %get3A_171 = arith.index_cast %scan3A_106 : i32 to index
        %get3A_172 = arith.constant 96 : index
        %get3A_173 = tpu.vector_load %arg12[%get3A_171, %get3A_172] {strides = array<i32>} : memref<128x128xf32, #tpu.memory_space<vmem>>, vector<1x16xf32>,
        %get3A_174 = vector.shape_cast %get3A_173 : vector<1x16xf32> to vector<16xf32>
        %mul3A_175 = arith.mulf %get3A_174, %get3A_111 : vector<16xf32>
        %swap3A_176 = arith.index_cast %scan3A_106 : i32 to index
        %swap3A_177 = arith.constant 96 : index
        %swap3A_178 = tpu.vector_load %arg12[%swap3A_176, %swap3A_177] {strides = array<i32>} : memref<128x128xf32, #tpu.memory_space<vmem>>, vector<1x16xf32>,
        %swap3A_179 = vector.shape_cast %swap3A_178 : vector<1x16xf32> to vector<16xf32>
        %swap3A_180 = vector.shape_cast %mul3A_175 : vector<16xf32> to vector<1x16xf32>
        tpu.vector_store %arg12[%swap3A_176, %swap3A_177], %swap3A_180 {strides = array<i32>} : memref<128x128xf32, #tpu.memory_space<vmem>>, vector<1x16xf32>,
        %get3A_181 = arith.index_cast %scan3A_106 : i32 to index
        %get3A_182 = arith.constant 112 : index
        %get3A_183 = tpu.vector_load %arg12[%get3A_181, %get3A_182] {strides = array<i32>} : memref<128x128xf32, #tpu.memory_space<vmem>>, vector<1x16xf32>,
        %get3A_184 = vector.shape_cast %get3A_183 : vector<1x16xf32> to vector<16xf32>
        %mul3A_185 = arith.mulf %get3A_184, %get3A_111 : vector<16xf32>
        %swap3A_186 = arith.index_cast %scan3A_106 : i32 to index
        %swap3A_187 = arith.constant 112 : index
        %swap3A_188 = tpu.vector_load %arg12[%swap3A_186, %swap3A_187] {strides = array<i32>} : memref<128x128xf32, #tpu.memory_space<vmem>>, vector<1x16xf32>,
        %swap3A_189 = vector.shape_cast %swap3A_188 : vector<1x16xf32> to vector<16xf32>
        %swap3A_190 = vector.shape_cast %mul3A_185 : vector<16xf32> to vector<1x16xf32>
        tpu.vector_store %arg12[%swap3A_186, %swap3A_187], %swap3A_190 {strides = array<i32>} : memref<128x128xf32, #tpu.memory_space<vmem>>, vector<1x16xf32>,
        %scan3A_191 = arith.constant 0 : i32
        scf.yield %scan3A_191 : i32
      }
      %scan3A_104 = arith.constant 128 : i32
      "tpu.region"() ({
        %run_scoped3A = tpu.sem_alloc : memref<!tpu.dma_semaphore, #tpu.memory_space<semaphore_mem>>
        %dma_start3A_106 = arith.constant 0 : i32
        %dma_start3A_107 = tpu.memref_slice %arg9[%scan3A_83, %dma_start3A_106] : memref<79x128xi32, #tpu.memory_space<vmem>> -> memref<1x128xi32, #tpu.memory_space<vmem>>
        %dma_start3A_108 = tpu.memref_squeeze %dma_start3A_107 : memref<1x128xi32, #tpu.memory_space<vmem>> -> memref<128xi32, #tpu.memory_space<vmem>>
        %dma_start3A_109 = arith.constant 0 : i32
        %dma_start3A_110 = arith.constant 0 : i32
        %dma_start3A_111 = tpu.memref_slice %arg13[%dma_start3A_109, %dma_start3A_110] : memref<10000x128xf32, #tpu.memory_space<vmem_shared>> -> memref<10000x128xf32, #tpu.memory_space<vmem_shared>>
        tpu.enqueue_indirect_dma source(%arg12 : memref<128x128xf32, #tpu.memory_space<vmem>>) target(%dma_start3A_111 : memref<10000x128xf32, #tpu.memory_space<vmem_shared>>) offsets(%dma_start3A_108 : memref<128xi32, #tpu.memory_space<vmem>>) semaphore(%run_scoped3A : memref<!tpu.dma_semaphore, #tpu.memory_space<semaphore_mem>>) {add = true}
        %dma_wait3A_112 = arith.constant 0 : i32
        %dma_wait3A_113 = tpu.memref_slice %arg9[%scan3A_83, %dma_wait3A_112] : memref<79x128xi32, #tpu.memory_space<vmem>> -> memref<1x128xi32, #tpu.memory_space<vmem>>
        %dma_wait3A_114 = tpu.memref_squeeze %dma_wait3A_113 : memref<1x128xi32, #tpu.memory_space<vmem>> -> memref<128xi32, #tpu.memory_space<vmem>>
        %dma_wait3A_115 = arith.constant 0 : i32
        %dma_wait3A_116 = arith.constant 0 : i32
        %dma_wait3A_117 = tpu.memref_slice %arg13[%dma_wait3A_115, %dma_wait3A_116] : memref<10000x128xf32, #tpu.memory_space<vmem_shared>> -> memref<10000x128xf32, #tpu.memory_space<vmem_shared>>
        tpu.wait_indirect_dma semaphore(%run_scoped3A : memref<!tpu.dma_semaphore, #tpu.memory_space<semaphore_mem>>) src(%arg12 : memref<128x128xf32, #tpu.memory_space<vmem>>) dst(%dma_wait3A_117 : memref<10000x128xf32, #tpu.memory_space<vmem_shared>>)
        tpu.yield
      }) : () -> ()
      %scan3A_105 = arith.constant 0 : i32
      scf.yield %scan3A_105 : i32
    }
    %scan3A_74 = arith.constant 79 : i32
    %barrier3A_75 = arith.constant 0 : index
    tpu.barrier barrier_id(%barrier3A_75)
    %scan3A_76 = arith.constant 0 : i32
    %scan3A_77 = arith.constant 0 : i32
    %scan3A_78 = arith.constant 5 : i32
    %scan3A_79 = arith.addi %scan3A_77, %scan3A_78 : i32
    %scan3A_80 = arith.constant 1 : i32
    %scan3A_81 = scf.for %scan3A_83 = %scan3A_77 to %scan3A_79 step %scan3A_80 iter_args(%scan3A_84 = %scan3A_76) -> (i32)  : i32 {
      %mul3A_85 = arith.constant 125 : i32
      %mul3A_86 = arith.muli %scan3A_83, %mul3A_85 : i32
      %add3A = arith.addi %mul3A_0, %mul3A_86 : i32
      "tpu.region"() ({
        %run_scoped3A = tpu.sem_alloc : memref<!tpu.dma_semaphore, #tpu.memory_space<semaphore_mem>>
        %dma_start3A_95 = arith.constant 0 : i32
        %dma_start3A_96 = arith.constant 0 : i32
        %dma_start3A_97 = tpu.memref_slice %arg12[%dma_start3A_95, %dma_start3A_96] : memref<128x128xf32, #tpu.memory_space<vmem>> -> memref<125x128xf32, #tpu.memory_space<vmem>>
        %dma_start3A_98 = arith.constant 0 : i32
        %dma_start3A_99 = tpu.memref_slice %arg13[%add3A, %dma_start3A_98] : memref<10000x128xf32, #tpu.memory_space<vmem_shared>> -> memref<125x128xf32, #tpu.memory_space<vmem_shared>>
        %dma_start3A_100 = arith.constant 0 : i32
        %dma_start3A_101 = arith.constant 0 : i32
        %dma_start3A_102 = tpu.memref_slice %arg12[%dma_start3A_100, %dma_start3A_101] : memref<128x128xf32, #tpu.memory_space<vmem>> -> memref<125x128xf32, #tpu.memory_space<vmem>>
        %dma_start3A_103 = arith.constant 0 : i32
        %dma_start3A_104 = tpu.memref_slice %arg13[%add3A, %dma_start3A_103] : memref<10000x128xf32, #tpu.memory_space<vmem_shared>> -> memref<125x128xf32, #tpu.memory_space<vmem_shared>>
        tpu.enqueue_dma source(%dma_start3A_104 : memref<125x128xf32, #tpu.memory_space<vmem_shared>>) target(%dma_start3A_102 : memref<125x128xf32, #tpu.memory_space<vmem>>) target_semaphore(%run_scoped3A : memref<!tpu.dma_semaphore, #tpu.memory_space<semaphore_mem>>)
        %dma_wait3A_105 = arith.constant 0 : i32
        %dma_wait3A_106 = arith.constant 0 : i32
        %dma_wait3A_107 = tpu.memref_slice %arg12[%dma_wait3A_105, %dma_wait3A_106] : memref<128x128xf32, #tpu.memory_space<vmem>> -> memref<125x128xf32, #tpu.memory_space<vmem>>
        %dma_wait3A_108 = arith.constant 0 : i32
        %dma_wait3A_109 = tpu.memref_slice %arg13[%add3A, %dma_wait3A_108] : memref<10000x128xf32, #tpu.memory_space<vmem_shared>> -> memref<125x128xf32, #tpu.memory_space<vmem_shared>>
        %dma_wait3A_110 = arith.constant 0 : i32
        %dma_wait3A_111 = arith.constant 0 : i32
        %dma_wait3A_112 = tpu.memref_slice %arg12[%dma_wait3A_110, %dma_wait3A_111] : memref<128x128xf32, #tpu.memory_space<vmem>> -> memref<125x128xf32, #tpu.memory_space<vmem>>
        %dma_wait3A_113 = arith.constant 0 : i32
        %dma_wait3A_114 = tpu.memref_slice %arg13[%add3A, %dma_wait3A_113] : memref<10000x128xf32, #tpu.memory_space<vmem_shared>> -> memref<125x128xf32, #tpu.memory_space<vmem_shared>>
        tpu.wait_dma2 semaphore(%run_scoped3A : memref<!tpu.dma_semaphore, #tpu.memory_space<semaphore_mem>>) src(%dma_wait3A_114 : memref<125x128xf32, #tpu.memory_space<vmem_shared>>) dst(%dma_wait3A_112 : memref<125x128xf32, #tpu.memory_space<vmem>>)
        tpu.yield
      }) : () -> ()
      %scan3A_87 = arith.constant 0 : i32
      %scan3A_88 = arith.constant 0 : i32
      %scan3A_89 = arith.constant 125 : i32
      %scan3A_90 = arith.addi %scan3A_88, %scan3A_89 : i32
      %scan3A_91 = arith.constant 1 : i32
      %scan3A_92 = scf.for %scan3A_95 = %scan3A_88 to %scan3A_90 step %scan3A_91 iter_args(%scan3A_96 = %scan3A_87) -> (i32)  : i32 {
        %get3A = arith.index_cast %scan3A_95 : i32 to index
        %get3A_97 = arith.constant 0 : index
        %get3A_98 = tpu.vector_load %arg12[%get3A, %get3A_97] {strides = array<i32>} : memref<128x128xf32, #tpu.memory_space<vmem>>, vector<1x16xf32>,
        %get3A_99 = vector.shape_cast %get3A_98 : vector<1x16xf32> to vector<16xf32>
        %max3A = arith.constant 0.000000e+00 : f32
        %max3A_100 = vector.broadcast %max3A : f32 to vector<16xf32>
        %max3A_101 = arith.maximumf %get3A_99, %max3A_100 : vector<16xf32>
        %swap3A = arith.index_cast %scan3A_95 : i32 to index
        %swap3A_102 = arith.constant 0 : index
        %swap3A_103 = tpu.vector_load %arg12[%swap3A, %swap3A_102] {strides = array<i32>} : memref<128x128xf32, #tpu.memory_space<vmem>>, vector<1x16xf32>,
        %swap3A_104 = vector.shape_cast %swap3A_103 : vector<1x16xf32> to vector<16xf32>
        %swap3A_105 = vector.shape_cast %max3A_101 : vector<16xf32> to vector<1x16xf32>
        tpu.vector_store %arg12[%swap3A, %swap3A_102], %swap3A_105 {strides = array<i32>} : memref<128x128xf32, #tpu.memory_space<vmem>>, vector<1x16xf32>,
        %get3A_106 = arith.index_cast %scan3A_95 : i32 to index
        %get3A_107 = arith.constant 16 : index
        %get3A_108 = tpu.vector_load %arg12[%get3A_106, %get3A_107] {strides = array<i32>} : memref<128x128xf32, #tpu.memory_space<vmem>>, vector<1x16xf32>,
        %get3A_109 = vector.shape_cast %get3A_108 : vector<1x16xf32> to vector<16xf32>
        %max3A_110 = arith.constant 0.000000e+00 : f32
        %max3A_111 = vector.broadcast %max3A_110 : f32 to vector<16xf32>
        %max3A_112 = arith.maximumf %get3A_109, %max3A_111 : vector<16xf32>
        %swap3A_113 = arith.index_cast %scan3A_95 : i32 to index
        %swap3A_114 = arith.constant 16 : index
        %swap3A_115 = tpu.vector_load %arg12[%swap3A_113, %swap3A_114] {strides = array<i32>} : memref<128x128xf32, #tpu.memory_space<vmem>>, vector<1x16xf32>,
        %swap3A_116 = vector.shape_cast %swap3A_115 : vector<1x16xf32> to vector<16xf32>
        %swap3A_117 = vector.shape_cast %max3A_112 : vector<16xf32> to vector<1x16xf32>
        tpu.vector_store %arg12[%swap3A_113, %swap3A_114], %swap3A_117 {strides = array<i32>} : memref<128x128xf32, #tpu.memory_space<vmem>>, vector<1x16xf32>,
        %get3A_118 = arith.index_cast %scan3A_95 : i32 to index
        %get3A_119 = arith.constant 32 : index
        %get3A_120 = tpu.vector_load %arg12[%get3A_118, %get3A_119] {strides = array<i32>} : memref<128x128xf32, #tpu.memory_space<vmem>>, vector<1x16xf32>,
        %get3A_121 = vector.shape_cast %get3A_120 : vector<1x16xf32> to vector<16xf32>
        %max3A_122 = arith.constant 0.000000e+00 : f32
        %max3A_123 = vector.broadcast %max3A_122 : f32 to vector<16xf32>
        %max3A_124 = arith.maximumf %get3A_121, %max3A_123 : vector<16xf32>
        %swap3A_125 = arith.index_cast %scan3A_95 : i32 to index
        %swap3A_126 = arith.constant 32 : index
        %swap3A_127 = tpu.vector_load %arg12[%swap3A_125, %swap3A_126] {strides = array<i32>} : memref<128x128xf32, #tpu.memory_space<vmem>>, vector<1x16xf32>,
        %swap3A_128 = vector.shape_cast %swap3A_127 : vector<1x16xf32> to vector<16xf32>
        %swap3A_129 = vector.shape_cast %max3A_124 : vector<16xf32> to vector<1x16xf32>
        tpu.vector_store %arg12[%swap3A_125, %swap3A_126], %swap3A_129 {strides = array<i32>} : memref<128x128xf32, #tpu.memory_space<vmem>>, vector<1x16xf32>,
        %get3A_130 = arith.index_cast %scan3A_95 : i32 to index
        %get3A_131 = arith.constant 48 : index
        %get3A_132 = tpu.vector_load %arg12[%get3A_130, %get3A_131] {strides = array<i32>} : memref<128x128xf32, #tpu.memory_space<vmem>>, vector<1x16xf32>,
        %get3A_133 = vector.shape_cast %get3A_132 : vector<1x16xf32> to vector<16xf32>
        %max3A_134 = arith.constant 0.000000e+00 : f32
        %max3A_135 = vector.broadcast %max3A_134 : f32 to vector<16xf32>
        %max3A_136 = arith.maximumf %get3A_133, %max3A_135 : vector<16xf32>
        %swap3A_137 = arith.index_cast %scan3A_95 : i32 to index
        %swap3A_138 = arith.constant 48 : index
        %swap3A_139 = tpu.vector_load %arg12[%swap3A_137, %swap3A_138] {strides = array<i32>} : memref<128x128xf32, #tpu.memory_space<vmem>>, vector<1x16xf32>,
        %swap3A_140 = vector.shape_cast %swap3A_139 : vector<1x16xf32> to vector<16xf32>
        %swap3A_141 = vector.shape_cast %max3A_136 : vector<16xf32> to vector<1x16xf32>
        tpu.vector_store %arg12[%swap3A_137, %swap3A_138], %swap3A_141 {strides = array<i32>} : memref<128x128xf32, #tpu.memory_space<vmem>>, vector<1x16xf32>,
        %get3A_142 = arith.index_cast %scan3A_95 : i32 to index
        %get3A_143 = arith.constant 64 : index
        %get3A_144 = tpu.vector_load %arg12[%get3A_142, %get3A_143] {strides = array<i32>} : memref<128x128xf32, #tpu.memory_space<vmem>>, vector<1x16xf32>,
        %get3A_145 = vector.shape_cast %get3A_144 : vector<1x16xf32> to vector<16xf32>
        %max3A_146 = arith.constant 0.000000e+00 : f32
        %max3A_147 = vector.broadcast %max3A_146 : f32 to vector<16xf32>
        %max3A_148 = arith.maximumf %get3A_145, %max3A_147 : vector<16xf32>
        %swap3A_149 = arith.index_cast %scan3A_95 : i32 to index
        %swap3A_150 = arith.constant 64 : index
        %swap3A_151 = tpu.vector_load %arg12[%swap3A_149, %swap3A_150] {strides = array<i32>} : memref<128x128xf32, #tpu.memory_space<vmem>>, vector<1x16xf32>,
        %swap3A_152 = vector.shape_cast %swap3A_151 : vector<1x16xf32> to vector<16xf32>
        %swap3A_153 = vector.shape_cast %max3A_148 : vector<16xf32> to vector<1x16xf32>
        tpu.vector_store %arg12[%swap3A_149, %swap3A_150], %swap3A_153 {strides = array<i32>} : memref<128x128xf32, #tpu.memory_space<vmem>>, vector<1x16xf32>,
        %get3A_154 = arith.index_cast %scan3A_95 : i32 to index
        %get3A_155 = arith.constant 80 : index
        %get3A_156 = tpu.vector_load %arg12[%get3A_154, %get3A_155] {strides = array<i32>} : memref<128x128xf32, #tpu.memory_space<vmem>>, vector<1x16xf32>,
        %get3A_157 = vector.shape_cast %get3A_156 : vector<1x16xf32> to vector<16xf32>
        %max3A_158 = arith.constant 0.000000e+00 : f32
        %max3A_159 = vector.broadcast %max3A_158 : f32 to vector<16xf32>
        %max3A_160 = arith.maximumf %get3A_157, %max3A_159 : vector<16xf32>
        %swap3A_161 = arith.index_cast %scan3A_95 : i32 to index
        %swap3A_162 = arith.constant 80 : index
        %swap3A_163 = tpu.vector_load %arg12[%swap3A_161, %swap3A_162] {strides = array<i32>} : memref<128x128xf32, #tpu.memory_space<vmem>>, vector<1x16xf32>,
        %swap3A_164 = vector.shape_cast %swap3A_163 : vector<1x16xf32> to vector<16xf32>
        %swap3A_165 = vector.shape_cast %max3A_160 : vector<16xf32> to vector<1x16xf32>
        tpu.vector_store %arg12[%swap3A_161, %swap3A_162], %swap3A_165 {strides = array<i32>} : memref<128x128xf32, #tpu.memory_space<vmem>>, vector<1x16xf32>,
        %get3A_166 = arith.index_cast %scan3A_95 : i32 to index
        %get3A_167 = arith.constant 96 : index
        %get3A_168 = tpu.vector_load %arg12[%get3A_166, %get3A_167] {strides = array<i32>} : memref<128x128xf32, #tpu.memory_space<vmem>>, vector<1x16xf32>,
        %get3A_169 = vector.shape_cast %get3A_168 : vector<1x16xf32> to vector<16xf32>
        %max3A_170 = arith.constant 0.000000e+00 : f32
        %max3A_171 = vector.broadcast %max3A_170 : f32 to vector<16xf32>
        %max3A_172 = arith.maximumf %get3A_169, %max3A_171 : vector<16xf32>
        %swap3A_173 = arith.index_cast %scan3A_95 : i32 to index
        %swap3A_174 = arith.constant 96 : index
        %swap3A_175 = tpu.vector_load %arg12[%swap3A_173, %swap3A_174] {strides = array<i32>} : memref<128x128xf32, #tpu.memory_space<vmem>>, vector<1x16xf32>,
        %swap3A_176 = vector.shape_cast %swap3A_175 : vector<1x16xf32> to vector<16xf32>
        %swap3A_177 = vector.shape_cast %max3A_172 : vector<16xf32> to vector<1x16xf32>
        tpu.vector_store %arg12[%swap3A_173, %swap3A_174], %swap3A_177 {strides = array<i32>} : memref<128x128xf32, #tpu.memory_space<vmem>>, vector<1x16xf32>,
        %get3A_178 = arith.index_cast %scan3A_95 : i32 to index
        %get3A_179 = arith.constant 112 : index
        %get3A_180 = tpu.vector_load %arg12[%get3A_178, %get3A_179] {strides = array<i32>} : memref<128x128xf32, #tpu.memory_space<vmem>>, vector<1x16xf32>,
        %get3A_181 = vector.shape_cast %get3A_180 : vector<1x16xf32> to vector<16xf32>
        %max3A_182 = arith.constant 0.000000e+00 : f32
        %max3A_183 = vector.broadcast %max3A_182 : f32 to vector<16xf32>
        %max3A_184 = arith.maximumf %get3A_181, %max3A_183 : vector<16xf32>
        %swap3A_185 = arith.index_cast %scan3A_95 : i32 to index
        %swap3A_186 = arith.constant 112 : index
        %swap3A_187 = tpu.vector_load %arg12[%swap3A_185, %swap3A_186] {strides = array<i32>} : memref<128x128xf32, #tpu.memory_space<vmem>>, vector<1x16xf32>,
        %swap3A_188 = vector.shape_cast %swap3A_187 : vector<1x16xf32> to vector<16xf32>
        %swap3A_189 = vector.shape_cast %max3A_184 : vector<16xf32> to vector<1x16xf32>
        tpu.vector_store %arg12[%swap3A_185, %swap3A_186], %swap3A_189 {strides = array<i32>} : memref<128x128xf32, #tpu.memory_space<vmem>>, vector<1x16xf32>,
        %scan3A_190 = arith.constant 0 : i32
        scf.yield %scan3A_190 : i32
      }
      %scan3A_93 = arith.constant 125 : i32
      "tpu.region"() ({
        %run_scoped3A = tpu.sem_alloc : memref<!tpu.dma_semaphore, #tpu.memory_space<semaphore_mem>>
        %dma_start3A_95 = arith.constant 0 : i32
        %dma_start3A_96 = arith.constant 0 : i32
        %dma_start3A_97 = tpu.memref_slice %arg12[%dma_start3A_95, %dma_start3A_96] : memref<128x128xf32, #tpu.memory_space<vmem>> -> memref<125x128xf32, #tpu.memory_space<vmem>>
        %dma_start3A_98 = arith.constant 0 : i32
        %dma_start3A_99 = tpu.memref_slice %arg11[%scan3A_83, %dma_start3A_98] : memref<5x125xi32, #tpu.memory_space<vmem>> -> memref<1x125xi32, #tpu.memory_space<vmem>>
        %dma_start3A_100 = tpu.memref_squeeze %dma_start3A_99 : memref<1x125xi32, #tpu.memory_space<vmem>> -> memref<125xi32, #tpu.memory_space<vmem>>
        %dma_start3A_101 = arith.constant 0 : i32
        %dma_start3A_102 = arith.constant 0 : i32
        %dma_start3A_103 = tpu.memref_slice %arg7[%dma_start3A_101, %dma_start3A_102] : memref<20000x128xf32, #tpu.memory_space<hbm>> -> memref<20000x128xf32, #tpu.memory_space<hbm>>
        tpu.enqueue_indirect_dma source(%dma_start3A_97 : memref<125x128xf32, #tpu.memory_space<vmem>>) target(%dma_start3A_103 : memref<20000x128xf32, #tpu.memory_space<hbm>>) offsets(%dma_start3A_100 : memref<125xi32, #tpu.memory_space<vmem>>) semaphore(%run_scoped3A : memref<!tpu.dma_semaphore, #tpu.memory_space<semaphore_mem>>)
        %dma_wait3A_104 = arith.constant 0 : i32
        %dma_wait3A_105 = arith.constant 0 : i32
        %dma_wait3A_106 = tpu.memref_slice %arg12[%dma_wait3A_104, %dma_wait3A_105] : memref<128x128xf32, #tpu.memory_space<vmem>> -> memref<125x128xf32, #tpu.memory_space<vmem>>
        %dma_wait3A_107 = arith.constant 0 : i32
        %dma_wait3A_108 = tpu.memref_slice %arg11[%scan3A_83, %dma_wait3A_107] : memref<5x125xi32, #tpu.memory_space<vmem>> -> memref<1x125xi32, #tpu.memory_space<vmem>>
        %dma_wait3A_109 = tpu.memref_squeeze %dma_wait3A_108 : memref<1x125xi32, #tpu.memory_space<vmem>> -> memref<125xi32, #tpu.memory_space<vmem>>
        %dma_wait3A_110 = arith.constant 0 : i32
        %dma_wait3A_111 = arith.constant 0 : i32
        %dma_wait3A_112 = tpu.memref_slice %arg7[%dma_wait3A_110, %dma_wait3A_111] : memref<20000x128xf32, #tpu.memory_space<hbm>> -> memref<20000x128xf32, #tpu.memory_space<hbm>>
        tpu.wait_indirect_dma semaphore(%run_scoped3A : memref<!tpu.dma_semaphore, #tpu.memory_space<semaphore_mem>>) src(%dma_wait3A_106 : memref<125x128xf32, #tpu.memory_space<vmem>>) dst(%dma_wait3A_112 : memref<20000x128xf32, #tpu.memory_space<hbm>>)
        tpu.yield
      }) : () -> ()
      %scan3A_94 = arith.constant 0 : i32
      scf.yield %scan3A_94 : i32
    }
    %scan3A_82 = arith.constant 5 : i32
    return
  }
}

module attributes {stable_mosaic.version = 14 : i64} {
  func.func @_mm_body(%arg0: i32, %arg1: memref<1000x256xf32, #tpu.memory_space<vmem>>, %arg2: memref<256x256xf32, #tpu.memory_space<vmem>>, %arg3: memref<1000x256xf32, #tpu.memory_space<vmem>>) attributes {dimension_semantics = [#tpu.dimension_semantics<arbitrary>], iteration_bounds = array<i64: 10>, scalar_prefetch = 0 : i64, scratch_operands = 0 : i64, tpu.core_type = #tpu.core_type<tc>, window_params = [{transform_indices = @transform_0, window_bounds = array<i64: 1000, 256>}, {pipeline_mode = #tpu.pipeline_mode<synchronous>, transform_indices = @transform_1, window_bounds = array<i64: 256, 256>}, {transform_indices = @transform_2, window_bounds = array<i64: 1000, 256>}]} {
    %get3A = arith.constant 0 : index
    %get3A_0 = arith.constant 0 : index
    %get3A_1 = vector.load %arg1[%get3A, %get3A_0] : memref<1000x256xf32, #tpu.memory_space<vmem>>, vector<1000x256xf32>
    %get3A_2 = arith.constant 0 : index
    %get3A_3 = arith.constant 0 : index
    %get3A_4 = vector.load %arg2[%get3A_2, %get3A_3] : memref<256x256xf32, #tpu.memory_space<vmem>>, vector<256x256xf32>
    %dot_general3A = arith.constant dense<0.000000e+00> : vector<1000x256xf32>
    %dot_general3A_5 = tpu.matmul %get3A_1, %get3A_4, %dot_general3A {dimension_numbers = #tpu.dot_dimension_numbers<[1], [0], [0], [1], [0, 0, 1, 1], [], []>, transpose_lhs_hint = false} : vector<1000x256xf32>, vector<256x256xf32>, vector<1000x256xf32> -> vector<1000x256xf32>
    %swap3A = arith.constant 0 : index
    %swap3A_6 = arith.constant 0 : index
    %swap3A_7 = vector.load %arg3[%swap3A, %swap3A_6] : memref<1000x256xf32, #tpu.memory_space<vmem>>, vector<1000x256xf32>
    tpu.vector_store %arg3[%swap3A, %swap3A_6], %dot_general3A_5 {strides = array<i32>} : memref<1000x256xf32, #tpu.memory_space<vmem>>, vector<1000x256xf32>,
    return
  }
  func.func @transform_0(%arg0: i32) -> (i32, i32) {
    %c0_i32 = arith.constant 0 : i32
    %c0_i32_0 = arith.constant 0 : i32
    return %arg0, %c0_i32 : i32, i32
  }
  func.func @transform_1(%arg0: i32) -> (i32, i32) {
    %c0_i32 = arith.constant 0 : i32
    %c0_i32_0 = arith.constant 0 : i32
    %c0_i32_1 = arith.constant 0 : i32
    return %c0_i32, %c0_i32_0 : i32, i32
  }
  func.func @transform_2(%arg0: i32) -> (i32, i32) {
    %c0_i32 = arith.constant 0 : i32
    %c0_i32_0 = arith.constant 0 : i32
    return %arg0, %c0_i32 : i32, i32
  }
}

</mosaic_0001>

<sc_bundles>
// kernel: kernel.4.cloned.1.call-start
scs
__scs_entry_jumppad:
0x0: {  	(pc) =	sbr.rel $0x88, $3  }
0x1: {  	(tag) =	ssettag $0x0;
	lr =	simm.s32 $0x1  }
0x2: {  	[smem:$0x3F9D] =	sst lr;
	_ =	strace $0xD0000000  }
0x3: {  	_ = 	snop  }
0x4: {  	_ = 	snop  }
0x5: {  	_ = 	snop  }
0x6: {  	_ = 	snop  }
0x7: {  	_ = 	snop  }
__scs_overlays_trampoline_lowered:
0x8: {  	[smem:$0x3FAC] =	sst s0  }
0x9: {  	[smem:$0x3FAD] =	sst s1  }
0xa: {  	[smem:$0x3FAE] =	sst s2  }
0xb: {  	[smem:$0x3FAF] =	sst s3  }
0xc: {  	[smem:$0x3FB0] =	sst s4  }
0xd: {  	[smem:$0x3FB1] =	sst s5  }
0xe: {  	[smem:$0x3FB2] =	sst s6  }
0xf: {  	[smem:$0x3FB3] =	sst s7  }
0x10: {  	[smem:$0x3FB4] =	sst s8  }
0x11: {  	[smem:$0x3FB5] =	sst s9;
	s0 =	simm.s32 @!p0 $0x0  }
0x12: {  	s1 =	sld [smem:$0x3F9B];
	s0 =	simm.s32 @p0 $0x1  }
0x13: {  	[smem:$0x3FB6] =	sst s0;
	s0 =	simm.s32 @!p1 $0x0  }
0x14: {  	s2 =	sld [smem:$0x3F9A];
	s0 =	simm.s32 @p1 $0x1  }
0x15: {  	[smem:$0x3FB7] =	sst s0;
	s0 =	simm.s32 @!p2 $0x0  }
0x16: {  	s3 =	sld [smem:$0x3FDB];
	s0 =	simm.s32 @p2 $0x1  }
0x17: {  	s4 =	simm.s32 $0x1BF5;
	[smem:$0x3FB9] =	sst s0  }
0x18: {  	s0 =	sld [smem:$0x3F9C];
	_ =	swait.ge [sflag:s4], $0x0  }
0x19: {  	s7 =	sld [smem:$0x3F9D]  }
0x1a: {  	s8 =	sadd.s32 $0xFFFFE003, lr  }
0x1b: {  	s9 =	sadd.s32 $0xFFFFFEF7, lr;
	s5 =	simm.s32 $0xFFFFFFFF;
	p2 =	slt.u32 s8, $0xFFFFF086  }
0x1c: {  	p1 =	slt.u32 s9, $0xF7A;
	s5 =	simm.s32 @!p2 $0x0  }
0x1d: {  	s5 =	simm.s32 @p1 $0x1;
	p0 =	seq.s32 s7, s2  }
0x1e: {  	s7 =	smul.u32 @!p0 $0xF7A, s2;
	p2 =	seq.s32 @!p0 s5, $0x0  }
0x1f: {  	s9 =	smul.u32 $0xF7A, s1;
	s8 =	simm.s32 @!p0 $0x1BF5;
	p2 =	por !p2, p0  }
0x20: {  	[sflag:s8] =	ssyncset.s32 @!p0 $0xFFFFF086;
	s6 =	sadd.s32 @!p0 s3, s7;
	s7 =	simm.s32 @!p0 $0x108  }
0x21: {  	s3 =	sadd.s32 s3, s9;
	s6 =	sadd.s32 @!p0 $0x88, s6;
	s7 =	simm.s32 @p2 $0x1082  }
0x22: {  	[simem:s7], [sflag:s8] =	dma.local @!p0 [hbm:s6], $0xF7A  }
0x23: {  	s9 =	sor.u32 $0xD0000000, s2;
	s6 =	simm.s32 $0x108;
	_ =	swait.ge @!p0 [sflag:s8], $0x0  }
0x24: {  	s3 =	sadd.s32 $0x88, s3;
	s6 =	simm.s32 @!p1 $0x1082;
	[sflag:s4] =	ssyncset.s32 $0xFFFFF086  }
0x25: {  	[simem:s6], [sflag:s4] =	dma.local [hbm:s3], $0xF7A  }
0x26: {  	[smem:$0x3F9D] =	sst s1;
	(tag) =	ssettag s2;
	_ =	strace s9  }
0x27: {  	s1 =	sld [smem:$0x3FAD]  }
0x28: {  	s2 =	sld [smem:$0x3FAE]  }
0x29: {  	s4 =	sld [smem:$0x3FB0]  }
0x2a: {  	p0 =	seq.s32 s5, $0x0;
	s5 =	sld [smem:$0x3FB1]  }
0x2b: {  	s6 =	sld [smem:$0x3FB2]  }
0x2c: {  	s7 =	sld [smem:$0x3FB3]  }
0x2d: {  	s3 =	simm.s32 $0x108;
	s8 =	sld [smem:$0x3FB4]  }
0x2e: {  	s3 =	simm.s32 @!p0 $0x1082;
	s9 =	sld [smem:$0x3FB5]  }
0x2f: {  	lr =	sadd.s32 s0, s3;
	s0 =	sld [smem:$0x3FAC]  }
0x30: {  	s3 =	sld [smem:$0x3FAF]  }
0x31: {  	[smem:$0x3FB8] =	sst s10  }
0x32: {  	s10 =	sld [smem:$0x3FB6];
	_ =	sdelay $0x3  }
0x33: {  	p0 =	seq.s32 s10, $0x1;
	s10 =	sld [smem:$0x3FB8];
	_ =	sdelay $0x3  }
0x34: {  	[smem:$0x3FB8] =	sst s10  }
0x35: {  	s10 =	sld [smem:$0x3FB7];
	_ =	sdelay $0x3  }
0x36: {  	p1 =	seq.s32 s10, $0x1;
	s10 =	sld [smem:$0x3FB8];
	_ =	sdelay $0x3  }
0x37: {  	[smem:$0x3FB8] =	sst s10  }
0x38: {  	s10 =	sld [smem:$0x3FB9]  }
0x39: {  	_ = 	snop;
	(pc) =	sbr.ind lr, $3  }
0x3a: {  	_ = 	snop  }
0x3b: {  	_ = 	snop  }
0x3c: {  	p2 =	seq.s32 s10, $0x1;
	s10 =	sld [smem:$0x3FB8]  }
0x3d: {  	_ =	shalt  }
0x3e: {  	_ =	shalt  }
0x3f: {  	_ =	shalt  }
0x40: {  	_ =	shalt  }
0x41: {  	_ =	shalt  }
0x42: {  	_ =	shalt  }
0x43: {  	_ =	shalt  }
0x44: {  	_ =	shalt  }
0x45: {  	_ =	shalt  }
0x46: {  	_ =	shalt  }
0x47: {  	_ =	shalt  }
0x48: {  	_ =	shalt  }
0x49: {  	_ =	shalt  }
0x4a: {  	_ =	shalt  }
0x4b: {  	_ =	shalt  }
0x4c: {  	_ =	shalt  }
0x4d: {  	_ =	shalt  }
0x4e: {  	_ =	shalt  }
0x4f: {  	_ =	shalt  }
0x50: {  	_ =	shalt  }
0x51: {  	_ =	shalt  }
0x52: {  	_ =	shalt  }
0x53: {  	_ =	shalt  }
0x54: {  	_ =	shalt  }
0x55: {  	_ =	shalt  }
0x56: {  	_ =	shalt  }
0x57: {  	_ =	shalt  }
0x58: {  	_ =	shalt  }
0x59: {  	_ =	shalt  }
0x5a: {  	_ =	shalt  }
0x5b: {  	_ =	shalt  }
0x5c: {  	_ =	shalt  }
0x5d: {  	_ =	shalt  }
0x5e: {  	_ =	shalt  }
0x5f: {  	_ =	shalt  }
0x60: {  	_ =	shalt  }
0x61: {  	_ =	shalt  }
0x62: {  	_ =	shalt  }
0x63: {  	_ =	shalt  }
0x64: {  	_ =	shalt  }
0x65: {  	_ =	shalt  }
0x66: {  	_ =	shalt  }
0x67: {  	_ =	shalt  }
0x68: {  	_ =	shalt  }
0x69: {  	_ =	shalt  }
0x6a: {  	_ =	shalt  }
0x6b: {  	_ =	shalt  }
0x6c: {  	_ =	shalt  }
0x6d: {  	_ =	shalt  }
0x6e: {  	_ =	shalt  }
0x6f: {  	_ =	shalt  }
0x70: {  	_ =	shalt  }
0x71: {  	_ =	shalt  }
0x72: {  	_ =	shalt  }
0x73: {  	_ =	shalt  }
0x74: {  	_ =	shalt  }
0x75: {  	_ =	shalt  }
0x76: {  	_ =	shalt  }
0x77: {  	_ =	shalt  }
0x78: {  	_ =	shalt  }
0x79: {  	_ =	shalt  }
0x7a: {  	_ =	shalt  }
0x7b: {  	_ =	shalt  }
0x7c: {  	_ =	shalt  }
0x7d: {  	_ =	shalt  }
0x7e: {  	_ =	shalt  }
0x7f: {  	_ =	shalt  }
0x80: {  	_ =	shalt  }
0x81: {  	_ =	shalt  }
0x82: {  	_ =	shalt  }
0x83: {  	_ =	shalt  }
0x84: {  	_ =	shalt  }
0x85: {  	_ =	shalt  }
0x86: {  	_ =	shalt  }
0x87: {  	_ =	shalt  }
.Lfunc_end0:
.L_simem_size_0:
called_computation_lowered:
.L_overlay_start_0:
0x88: {  	s2 =	sld [smem:$0x3FD9]  }
0x89: {  	s3 =	sld [smem:$0x3FFE];
	_ =	sdelay $0x1  }
0x8a: {  	s1 =	srdreg.scid  }
0x8b: {  	s0 =	sand.u32 $0x1, s1  }
0x8c: {  	s17 =	sshll.u32 s0, $0xA;
	s2 =	sadd.s32 s3, s2  }
0x8d: {  	s2 =	sadd.s32 s2, s17  }
0x8e: {  	[smem:$0x3FC4] =	sst s2  }
0x8f: {  	_ = 	snop  }
0x90: {  	s2 =	sld [smem:$0x3FD0];
	(tm) =	ssettm $0x1  }
0x91: {  	s18 =	sld [smem:$0x3FFB];
	_ =	sdelay $0x3  }
0x92: {  	_ =	strace s18  }
0x93: {  	s3 =	sld [smem:$0x3FFC];
	_ =	sdelay $0x3  }
0x94: {  	_ =	strace s3  }
0x95: {  	s3 =	sld [smem:$0x3FFD];
	_ =	sdelay $0x3  }
0x96: {  	_ =	strace s3  }
0x97: {  	_ =	strace $0x8FFFFFFF  }
0x98: {  	s19 =	sld [smem:$0x3FDB];
	_ =	sdelay $0x1  }
0x99: {  	s4 =	simm.s32 $_scs_section_size  }
0x9a: {  	s5 =	simm.s32 $_size__tile_overlayer_lowered;
	s6 =	simm.s32 $_tile_overlayer_lowered  }
0x9b: {  	s22 =	simm.s32 $0x1BFF;
	s21 =	sshll.u32 s6, $0x1;
	s3 =	sadd.s32 s4, s19  }
0x9c: {  	s7 =	simm.s32 $0x0;
	s20 =	sshll.u32 s5, $0x1;
	s5 =	sadd.s32 s21, s3  }
0x9d: {  	[timem:s7], [sflag:s22] =	dma.local [hbm:s5], s20  }
0x9e: {  	_ =	swait.ge [sflag:s22], s20  }
0x9f: {  	s4 =	ssub.s32 $0x0, s20;
	[sflag:s22] =	ssyncset.done $0x0  }
0xa0: {  	[sflag:s22] =	ssyncadd.s32 s4;
	_ =	sdelay $0x1  }
0xa1: {  	s23 =	simm.s32 $0x1B8B  }
0xa2: {  	_ =	swait.ge [sflag:s23], $0x1  }
0xa3: {  	[sflag:s23] =	ssyncset.done $0x0  }
0xa4: {  	s25 =	simm.s32 $0x1B8E;
	s24 =	sld [smem:$0x3FFE];
	[sflag:s23] =	ssyncadd.s32 $0xFFFFFFFF  }
0xa5: {  	s26 =	simm.s32 $execute0_lowered;
	[smem:$0x3FD2] =	sst s25  }
0xa6: {  	s5 =	sshll.u32 s26, $0x1;
	_ =	strace $0x80000046;
	[dreg:$0x1] =	wrdreg $0xFFFFFFFF  }
0xa7: {  	s28 =	simm.s32 $_size_execute0_lowered;
	s3 =	sadd.s32 s3, s5;
	[dreg:$0x0] =	wrdreg $0x0  }
0xa8: {  	s5 =	sshll.u32 s28, $0x1;
	[dreg:$0x2] =	wrdreg s3  }
0xa9: {  	[dreg:$0x3] =	wrdreg s5  }
0xaa: {  	[dreg:$0x4] =	wrdreg $0xC0  }
0xab: {  	_ =	task [dreg:s7], $0x5FFFF  }
0xac: {  	[dreg:$0x1] =	wrdreg $0xFFFFFFFF  }
0xad: {  	[dreg:$0x0] =	wrdreg $0x60  }
0xae: {  	[dreg:$0x2] =	wrdreg s2  }
0xaf: {  	[dreg:$0x3] =	wrdreg s24  }
0xb0: {  	[dreg:$0x4] =	wrdreg $0x9C000  }
0xb1: {  	[dreg:$0x5] =	wrdreg $0x9  }
0xb2: {  	_ =	task.clear_ibuf [dreg:s7], $0x6FFFF;
	_ =	strace $0x90000046  }
0xb3: {  	s29 =	simm.s32 $0x9;
	_ =	strace $0x80000048  }
0xb4: {  	_ =	swait.ge [sflag:s29], $0x1  }
0xb5: {  	[sflag:s29] =	ssyncadd.s32 $0xFFFFFFFF  }
0xb6: {  	_ =	strace $0x90000048  }
0xb7: {  	_ =	sfence  }
0xb8: {  	s30 =	sld [smem:$0x0];
	_ =	sdelay $0x2  }
0xb9: {  	s31 =	sshll.u32 s1, $0xD;
	s1 =	sshrl.u32 s1, $0x2  }
0xba: {  	s3 =	sand.u32 $0x4000, s31;
	s1 =	sadd.s32 s1, s30  }
0xbb: {  	s0 =	sor.u32 s3, s0;
	s1 =	sshll.u32 s1, $0x11  }
0xbc: {  	s0 =	sor.u32 s1, s0  }
0xbd: {  	s0 =	sadd.s32 $0x8F2B, s0  }
0xbe: {  	[sflag:s0] =	ssyncadd.remote.s32 $0x1  }
0xbf: {  	_ =	sfence.sel $0xFFFF  }
0xc0: {  	[dreg:$0x0] =	wrdreg $0xFFFFFFFF;
	(pc) =	sbr.abs _section_cstart, $3  }
0xc1: {  	[dreg:$0x1] =	wrdreg $0xFFFFFFFF  }
0xc2: {  	_ =	task.clear_ibuf [dreg:s7], $0x2FFFF;
	_ =	strace $0x9FFFFFFF  }
0xc3: {  	(tm) =	ssettm $0x7FFFFFFF  }
tec
execute0_lowered:
.L_overlay_start_1:
0x0: {  	(tag) =	ssettag $0x1  }
0x1: {  	s2 =	rddreg [dreg:$0x0]  }
0x2: {  	s0 =	srdreg.scid;
	s6 =	rddreg [dreg:$0x1]  }
0x3: {  	s12 =	stileid.u32;
	s3 =	rddreg [dreg:$0x2]  }
0x4: {  	s4 =	simm.s32 $0x0;
	s19 =	simm.s32 $0x5800;
	s20 =	simm.s32 $0x1  }
0x5: {  	s21 =	simm.s32 $0x5C00;
	s22 =	simm.s32 $0x80;
	s23 =	simm.s32 $0x400  }
0x6: {  	s24 =	simm.s32 $0x5000;
	s25 =	simm.s32 $0x2;
	s26 =	simm.s32 $0x7D  }
0x7: {  	s28 =	simm.s32 $0x0;
	s0 =	sand.u32 $0x1, s0;
	s1 =	smul.u32 $0x2800, s12  }
0x8: {  	[smem:$0x7FF] =	sst s4;
	s7 =	sshll.u32 s12, $0x7;
	s11 =	smul.u32 $0x4E200, s12  }
0x9: {  	s5 =	smul.u32 $0x28000, s0;
	_ =	strace $0x80000047;
	s9 =	ssub.s32 $0x2, s0  }
0xa: {  	s10 =	sadd.s32 s7, s6;
	s7 =	smul.u32 $0x271, s12;
	s0 =	sshll.u32 s0, $0xB  }
0xb: {  	s30 =	sshrl.u32 s9, $0x1;
	s0 =	sadd.s32 s0, s10;
	s31 =	sshrl.u32 s11, $0x2  }
0xc: {  	s11 =	smul.u32 $0x28000, s12;
	s5 =	sadd.s32 s1, s5;
	s1 =	sshrl.u32 s1, $0x3  }
0xd: {  	s13 =	ssub.s32 s9, s30;
	s10 =	sadd.s32 $0x5FA00, s0;
	s12 =	sadd.s32 s31, s3  }
0xe: {  	s5 =	sshrl.u32 s5, $0x3;
	s1 =	sadd.s32 s1, s6;
	s13 =	smax.u32 s13, $0x1  }
0xf: {  	s14 =	sadd.s32 $0x3E80, s12;
	s15 =	sadd.s32 $0x7D00, s12;
	s16 =	sadd.s32 $0xBB80, s12  }
0x10: {  	s17 =	sadd.s32 $0xFA00, s12;
	s8 =	sadd.s32 s5, s6;
	s5 =	sadd.s32 $0xFA00, s6  }
0x11: {  	v0 =	vimm.f32 $0.0e+00;
	s6 =	sadd.s32 $0x60A00, s6;
	s9 =	sadd.s32 $0xAA00, s1;
	s8 =	sadd.s32 $0xA00, s8  }
.LBB2_1:
0x12: {  	[tilespmem:s4], [sflag:$0x1] =	stream.linear.gather [hbm4b:s8+s4], $0x2780, $0x38;
	[tilespmem:$0x1D480] =	vst v63  }
0x13: {  	s0 =	simm.s32 $0x2800  }
0x14: {  	[tilespmem:s0], [sflag:$0x1] =	stream.linear.gather [hbm4b:s9+s4], $0x2780, $0x38;
	[tilespmem:$0x1D480] =	vst v63  }
0x15: {  	_ = 	snop  }
0x16: {  	[tilespmem:s19], [sflag:$0x1] =	stream.linear.gather [hbm4b:s10+s4], $0x280, $0x38;
	[tilespmem:$0x1D480] =	vst v63  }
0x17: {  	_ =	swait.ge [sflag:s20], $0x2780  }
0x18: {  	[sflag:s20] =	ssyncset.done $0x0  }
0x19: {  	[sflag:s20] =	ssyncadd.s32 $0xFFFFD880  }
0x1a: {  	_ =	swait.ge [sflag:s20], $0x2780  }
0x1b: {  	[sflag:s20] =	ssyncset.done $0x0  }
0x1c: {  	[sflag:s20] =	ssyncadd.s32 $0xFFFFD880  }
0x1d: {  	_ =	swait.ge [sflag:s20], $0x280  }
0x1e: {  	[sflag:s20] =	ssyncset.done $0x0  }
0x1f: {  	s1 =	simm.s32 $0x200;
	s0 =	simm.s32 $0x0;
	[sflag:s20] =	ssyncadd.s32 $0xFFFFFD80  }
.LBB2_2:
0x20: {  	p0 =	sne.s32 s1, $0xF800;
	[tilespmem:s0+$0x5C70] =	vst v0  }
0x21: {  	[tilespmem:s0+$0x5C00] =	vst v0  }
0x22: {  	[tilespmem:s0+$0x5C10] =	vst v0  }
.Ltmp0:
0x23: {  	[tilespmem:s0+$0x5C20] =	vst v0;
	(pc) =	sbr.rel @p0 .LBB2_2-.Ltmp0, $4  }
0x24: {  	[tilespmem:s0+$0x5C30] =	vst v0  }
0x25: {  	[tilespmem:s0+$0x5C40] =	vst v0  }
0x26: {  	[tilespmem:s0+$0x5C50] =	vst v0  }
0x27: {  	[tilespmem:s0+$0x5C60] =	vst v0;
	s0 =	sshra.s32 s1, $0x2;
	s1 =	sadd.s32 $0x200, s1  }
0x28: {  	[tilespmem:s0+$0x5C70] =	vst v0  }
0x29: {  	[tilespmem:s0+$0x5C00] =	vst v0  }
0x2a: {  	[tilespmem:s0+$0x5C10] =	vst v0  }
0x2b: {  	[tilespmem:s0+$0x5C20] =	vst v0  }
0x2c: {  	[tilespmem:s0+$0x5C30] =	vst v0  }
0x2d: {  	[tilespmem:s0+$0x5C40] =	vst v0  }
0x2e: {  	[tilespmem:s0+$0x5C50] =	vst v0  }
0x2f: {  	[tilespmem:s0+$0x5C60] =	vst v0  }
0x30: {  	[spmem:s12] =	stream.linear.scatter [tilespmem:s21], [sflag:$0x1], $0x3E80, $0x38;
	[tilespmem:$0x1D480] =	vst v63  }
0x31: {  	_ = 	snop  }
0x32: {  	[spmem:s14] =	stream.linear.scatter [tilespmem:s21], [sflag:$0x1], $0x3E80, $0x38;
	[tilespmem:$0x1D480] =	vst v63  }
0x33: {  	_ = 	snop  }
0x34: {  	[spmem:s15] =	stream.linear.scatter [tilespmem:s21], [sflag:$0x1], $0x3E80, $0x38;
	[tilespmem:$0x1D480] =	vst v63  }
0x35: {  	_ = 	snop  }
0x36: {  	[spmem:s16] =	stream.linear.scatter [tilespmem:s21], [sflag:$0x1], $0x3E80, $0x38;
	[tilespmem:$0x1D480] =	vst v63  }
0x37: {  	_ = 	snop  }
0x38: {  	[spmem:s17] =	stream.linear.scatter [tilespmem:s21], [sflag:$0x1], $0x3E80, $0x38;
	[tilespmem:$0x1D480] =	vst v63  }
0x39: {  	_ =	swait.ge [sflag:s20], $0x3E80  }
0x3a: {  	[sflag:s20] =	ssyncset.done $0x0  }
0x3b: {  	[sflag:s20] =	ssyncadd.s32 $0xFFFFC180  }
0x3c: {  	_ =	swait.ge [sflag:s20], $0x3E80  }
0x3d: {  	[sflag:s20] =	ssyncset.done $0x0  }
0x3e: {  	[sflag:s20] =	ssyncadd.s32 $0xFFFFC180  }
0x3f: {  	_ =	swait.ge [sflag:s20], $0x3E80  }
0x40: {  	[sflag:s20] =	ssyncset.done $0x0  }
0x41: {  	[sflag:s20] =	ssyncadd.s32 $0xFFFFC180  }
0x42: {  	_ =	swait.ge [sflag:s20], $0x3E80  }
0x43: {  	[sflag:s20] =	ssyncset.done $0x0  }
0x44: {  	[sflag:s20] =	ssyncadd.s32 $0xFFFFC180  }
0x45: {  	_ =	swait.ge [sflag:s20], $0x3E80  }
0x46: {  	[sflag:s20] =	ssyncset.done $0x0  }
0x47: {  	[sflag:s20] =	ssyncadd.s32 $0xFFFFC180  }
0x48: {  	s29 =	simm.s32 $0x0;
	[bflag:$0x0] =	sbarrier.arrive $0xFFFF  }
.LBB2_4:
0x49: {  	s0 =	sshll.u32 s29, $0xB  }
0x4a: {  	s30 =	sshll.u32 s29, $0x7;
	s0 =	sand.u32 $0x3C000, s0  }
0x4b: {  	s1 =	sand.u32 $0x380, s30;
	s0 =	sadd.s32 s11, s0  }
0x4c: {  	s0 =	sor.u32 s1, s0  }
0x4d: {  	s0 =	sshrl.u32 s0, $0x3  }
0x4e: {  	s0 =	sadd.s32 s5, s0  }
0x4f: {  	[tilespmem:s24], [sflag:$0x1] =	stream.strided.gather [hbm4b:s0+s22], $0x800, s23, s22, $0x38;
	[tilespmem:$0x1D480] =	vst v63  }
0x50: {  	_ = 	snop  }
0x51: {  	[tilespmem:s21], [sflag:$0x2] =	stream.indirect.gather [hbm4b:s2+s22], $0x80, s30, s22, $0xb8;
	[tilespmem:$0x1D480] =	vst v63  }
0x52: {  	_ =	swait.ge [sflag:s25], $0x4000  }
0x53: {  	[sflag:s25] =	ssyncset.done $0x0  }
0x54: {  	[sflag:s25] =	ssyncadd.s32 $0xFFFFC000  }
0x55: {  	_ =	swait.ge [sflag:s20], $0x800  }
0x56: {  	[sflag:s20] =	ssyncset.done $0x0  }
0x57: {  	s31 =	simm.s32 $0x5C40;
	[sflag:s20] =	ssyncadd.s32 $0xFFFFF800  }
0x58: {  	v5 =	vld [tilespmem:s31+$0x30]  }
0x59: {  	v8 =	vld [tilespmem:s31+$0x10]  }
0x5a: {  	s18 =	simm.s32 $0x0;
	v6 =	vld [tilespmem:s31+$0xFFFFFFC0]  }
0x5b: {  	v2 =	vld [tilespmem:s18+$0x5000]  }
0x5c: {  	v10 =	vld [tilespmem:s31+$0xFFFFFFE0]  }
0x5d: {  	v1 =	vld [tilespmem:s31+$0xFFFFFFF0]  }
0x5e: {  	v3 =	vld [tilespmem:s31+$0x20]  }
0x5f: {  	v4 =	vld [tilespmem:s31+$0xFFFFFFD0]  }
0x60: {  	v9 =	vmul.f32 v5, v2;
	v5 =	vld [tilespmem:s31+$0x0]  }
0x61: {  	v7 =	vmul.f32 v6, v2  }
0x62: {  	s1 =	simm.s32 $0x40;
	s0 =	simm.s32 $0x5C40;
	v6 =	vmul.f32 v10, v2;
	v8 =	vmul.f32 v8, v2  }
.LBB2_5:
0x63: {  	p0 =	sne.s32 s1, $0x1FC0  }
0x64: {  	v4 =	vmul.f32 v4, v2;
	v3 =	vmul.f32 v3, v2;
	[tilespmem:s31+$0x30] =	vst v9;
	s0 =	sadd.s32 $0x80, s0;
	s18 =	smov.u32 s1;
	s1 =	sadd.s32 $0x40, s1  }
0x65: {  	[tilespmem:s31+$0xFFFFFFC0] =	vst v7;
	v7 =	vmul.f32 v1, v2;
	v2 =	vmul.f32 v5, v2  }
0x66: {  	[tilespmem:s31+$0x10] =	vst v8  }
0x67: {  	v1 =	vld [tilespmem:s0+$0xFFFFFFF0];
	[tilespmem:s31+$0xFFFFFFE0] =	vst v6  }
0x68: {  	v6 =	vld [tilespmem:s0+$0x30];
	[tilespmem:s31+$0xFFFFFFF0] =	vst v7  }
0x69: {  	v8 =	vld [tilespmem:s0+$0x10];
	[tilespmem:s31+$0x0] =	vst v2  }
0x6a: {  	v7 =	vld [tilespmem:s0+$0xFFFFFFC0];
	[tilespmem:s31+$0x20] =	vst v3  }
0x6b: {  	s18 =	sshra.s32 s18, $0x2;
	v10 =	vld [tilespmem:s0+$0xFFFFFFE0];
	[tilespmem:s31+$0xFFFFFFD0] =	vst v4;
	s31 =	smov.u32 s0  }
0x6c: {  	v2 =	vld [tilespmem:s18+$0x5000]  }
0x6d: {  	v3 =	vld [tilespmem:s0+$0x20]  }
.Ltmp1:
0x6e: {  	v4 =	vld [tilespmem:s0+$0xFFFFFFD0];
	(pc) =	sbr.rel @p0 .LBB2_5-.Ltmp1, $3  }
0x6f: {  	v5 =	vld [tilespmem:s0+$0x0];
	_ =	sdelay $0x1  }
0x70: {  	v7 =	vmul.f32 v7, v2;
	v9 =	vmul.f32 v6, v2  }
0x71: {  	v6 =	vmul.f32 v10, v2;
	v8 =	vmul.f32 v8, v2  }
0x72: {  	[tilespmem:s31+$0x30] =	vst v9  }
0x73: {  	[tilespmem:s31+$0xFFFFFFC0] =	vst v7  }
0x74: {  	v1 =	vmul.f32 v1, v2;
	[tilespmem:s31+$0x10] =	vst v8  }
0x75: {  	v3 =	vmul.f32 v3, v2;
	[tilespmem:s31+$0xFFFFFFE0] =	vst v6  }
0x76: {  	v5 =	vmul.f32 v5, v2;
	[tilespmem:s31+$0xFFFFFFF0] =	vst v1  }
0x77: {  	s29 =	sadd.s32 $0x1, s29;
	v1 =	vmul.f32 v4, v2;
	[tilespmem:s31+$0x20] =	vst v3  }
0x78: {  	p0 =	sne.s32 s29, $0x4F;
	[tilespmem:s31+$0x0] =	vst v5  }
.Ltmp2:
0x79: {  	s0 =	sadd.s32 $0x2800, s30;
	[tilespmem:s31+$0xFFFFFFD0] =	vst v1;
	(pc) =	sbr.rel @p0 .LBB2_4-.Ltmp2, $4  }
0x7a: {  	[spmem:s3] =	stream.indirect.scatter.add.f32 [tilespmem:s21], [sflag:$0x2], $0x80, s0, s22, $0xb8;
	[tilespmem:$0x1D480] =	vst v63  }
0x7b: {  	_ =	swait.ge [sflag:s25], $0x4000  }
0x7c: {  	[sflag:s25] =	ssyncset.done $0x0  }
0x7d: {  	[sflag:s25] =	ssyncadd.s32 $0xFFFFC000  }
0x7e: {  	[bflag:$0x0] =	sbarrier.arrive $0xFFFF;
	s29 =	simm.s32 $0x0  }
.LBB2_8:
0x7f: {  	s0 =	smul.u32 $0x7D, s29;
	_ =	sdelay $0x1  }
0x80: {  	s0 =	sadd.s32 s7, s0  }
0x81: {  	s0 =	sshll.u32 s0, $0x7  }
0x82: {  	s0 =	sand.u32 $0x3FFFFF80, s0  }
0x83: {  	s0 =	sadd.s32 s0, s3  }
0x84: {  	[tilespmem:s21], [sflag:$0x2] =	stream.linear.gather [spmem:s0], $0x3E80, $0x38;
	[tilespmem:$0x1D480] =	vst v63  }
0x85: {  	_ =	swait.ge [sflag:s25], $0x3E80  }
0x86: {  	[sflag:s25] =	ssyncset.done $0x0  }
0x87: {  	s30 =	simm.s32 $0x0;
	[sflag:s25] =	ssyncadd.s32 $0xFFFFC180  }
0x88: {  	v3 =	vld [tilespmem:s30+$0x5C00]  }
0x89: {  	v5 =	vld [tilespmem:s30+$0x5C10]  }
0x8a: {  	v4 =	vld [tilespmem:s30+$0x5C20]  }
0x8b: {  	v2 =	vld [tilespmem:s30+$0x5C30]  }
0x8c: {  	v1 =	vld [tilespmem:s30+$0x5C40]  }
0x8d: {  	v6 =	vmax.f32 v3, $0.0e+00;
	v3 =	vld [tilespmem:s30+$0x5C50]  }
0x8e: {  	s0 =	simm.s32 $0x200;
	[tilespmem:s30+$0x5C00] =	vst v6;
	v6 =	vmax.f32 v5, $0.0e+00;
	v5 =	vld [tilespmem:s30+$0x5C60]  }
.LBB2_9:
0x8f: {  	s1 =	sshra.s32 s0, $0x2;
	p0 =	sne.s32 s0, $0xF800;
	[tilespmem:s30+$0x5C10] =	vst v6;
	v4 =	vmax.f32 v4, $0.0e+00;
	v6 =	vld [tilespmem:s30+$0x5C70]  }
0x90: {  	v7 =	vld [tilespmem:s1+$0x5C00];
	[tilespmem:s30+$0x5C20] =	vst v4;
	v2 =	vmax.f32 v2, $0.0e+00  }
0x91: {  	v8 =	vld [tilespmem:s1+$0x5C10];
	[tilespmem:s30+$0x5C30] =	vst v2;
	v1 =	vmax.f32 v1, $0.0e+00  }
.Ltmp3:
0x92: {  	v4 =	vld [tilespmem:s1+$0x5C20];
	[tilespmem:s30+$0x5C40] =	vst v1;
	v1 =	vmax.f32 v3, $0.0e+00;
	(pc) =	sbr.rel @p0 .LBB2_9-.Ltmp3, $4  }
0x93: {  	v2 =	vld [tilespmem:s1+$0x5C30];
	[tilespmem:s30+$0x5C50] =	vst v1;
	v3 =	vmax.f32 v5, $0.0e+00  }
0x94: {  	v1 =	vld [tilespmem:s1+$0x5C40];
	[tilespmem:s30+$0x5C60] =	vst v3;
	v5 =	vmax.f32 v6, $0.0e+00  }
0x95: {  	v6 =	vmax.f32 v7, $0.0e+00;
	v3 =	vld [tilespmem:s1+$0x5C50];
	[tilespmem:s30+$0x5C70] =	vst v5;
	s30 =	smov.u32 s1  }
0x96: {  	s0 =	sadd.s32 $0x200, s0;
	[tilespmem:s30+$0x5C00] =	vst v6;
	v6 =	vmax.f32 v8, $0.0e+00;
	v5 =	vld [tilespmem:s30+$0x5C60]  }
0x97: {  	[tilespmem:s30+$0x5C10] =	vst v6;
	v4 =	vmax.f32 v4, $0.0e+00;
	v63 =	vld [tilespmem:s30+$0x5C70]  }
0x98: {  	[tilespmem:s30+$0x5C20] =	vst v4;
	v2 =	vmax.f32 v2, $0.0e+00  }
0x99: {  	[tilespmem:s30+$0x5C30] =	vst v2;
	v1 =	vmax.f32 v1, $0.0e+00  }
0x9a: {  	[tilespmem:s30+$0x5C40] =	vst v1;
	v1 =	vmax.f32 v3, $0.0e+00  }
0x9b: {  	s0 =	sshll.u32 s29, $0x7;
	s29 =	sadd.s32 $0x1, s29;
	[tilespmem:s30+$0x5C50] =	vst v1;
	v1 =	vmax.f32 v5, $0.0e+00  }
0x9c: {  	s0 =	sand.u32 $0x3FFFFF80, s0;
	p0 =	sne.s32 s29, $0x5;
	[tilespmem:s30+$0x5C60] =	vst v1;
	v1 =	vmax.f32 v63, $0.0e+00  }
.Ltmp4:
0x9d: {  	s0 =	sadd.s32 $0x5800, s0;
	[tilespmem:s30+$0x5C70] =	vst v1;
	(pc) =	sbr.rel @p0 .LBB2_8-.Ltmp4, $4  }
0x9e: {  	[hbm4b:s6+s26] =	stream.indirect.scatter [tilespmem:s21], [sflag:$0x2], $0x80, s0, s26, $0xb8;
	[tilespmem:$0x1D480] =	vst v63  }
0x9f: {  	_ =	swait.ge [sflag:s25], $0x3E80  }
0xa0: {  	[sflag:s25] =	ssyncset.done $0x0  }
0xa1: {  	[sflag:s25] =	ssyncadd.s32 $0xFFFFC180  }
0xa2: {  	s28 =	sadd.s32 $0x1, s28  }
0xa3: {  	p0 =	sne.s32 s28, s13  }
.Ltmp5:
0xa4: {  	_ = 	snop;
	(pc) =	sbr.rel @p0 .LBB2_1-.Ltmp5, $1  }
0xa5: {  	_ =	sdelay $0x3  }
0xa6: {  	_ =	sfence.sel $0x180000  }
0xa7: {  	[bflag:$0x0] =	sbarrier.arrive $0xFFFF  }
0xa8: {  	_ =	strace $0x90000047  }
0xa9: {  	s0 =	stileid.u32;
	[bflag:$0x2] =	sbarrier.arrive $0xFFFF  }
0xaa: {  	p0 =	sne.s32 s0, $0x0;
	s0 =	rddreg [dreg:$0x3]  }
0xab: {  	s0 =	sadd.s32 @!p0 $0x100000, s0  }
0xac: {  	[sflag:s0] =	ssyncadd.tile.s32 @!p0 $0x1;
	_ =	shalt  }
.Lfunc_end2:
_tile_overlayer_lowered:
.L_overlay_start_2:
0xad: {  	(tag) =	ssettag $0x2  }
0xae: {  	s0 =	rddreg [dreg:$0x0];
	s2 =	stileid.u32  }
0xaf: {  	s1 =	rddreg [dreg:$0x1];
	p0 =	sne.s32 s2, $0x0  }
0xb0: {  	s3 =	rddreg [dreg:$0x2];
	[bflag:$0x3] =	sbarrier.arrive $0xFFFF;
	s2 =	simm.s32 @!p0 $0x1C02  }
0xb1: {  	[timem:s3], [sflag:s2] =	dma.local @!p0 [hbm:s0], s1  }
0xb2: {  	s0 =	simm.s32 @!p0 $0x2  }
0xb3: {  	_ =	swait.ge @!p0 [sflag:s0], s1  }
0xb4: {  	s1 =	ssub.s32 @!p0 $0x0, s1;
	[sflag:s0] =	ssyncset.done @!p0 $0x0  }
0xb5: {  	[sflag:s0] =	ssyncadd.s32 @!p0 s1  }
0xb6: {  	[bflag:$0x3] =	sbarrier.arrive $0xFFFF  }
0xb7: {  	_ =	shalt  }

</sc_bundles>
